<compile_context>
chip_gen: v7x
topology: tpu7x:2x2x1
jax: 0.10.2.dev20260603
libtpu: 0.0.44.dev20260713+nightly
codegen_flags: <defaults>
</compile_context>

<pallas_src>
import dataclasses

import jax
import jax.numpy as jnp
from jax.experimental import pallas as pl
from jax.experimental.pallas import tpu as pltpu
from jax.experimental.pallas import tpu_sc as plsc

_SC_PARAMS = dataclasses.replace(
    pltpu.CompilerParams(),
    needs_layout_passes=False,
    use_tc_tiling_on_sc=True,
)

_C = 19
_BH = 128

_LANES = 16
_NSUB = 32
_HBINS = 32
_BLKR = 16


def _stats_body(pred_ref, tgt_ref, out_ref):
    j = pl.program_id(1)
    p = pred_ref[0]
    t = tgt_ref[0]
    cls = jax.lax.broadcasted_iota(jnp.int32, (_C, 1, 1), 0)
    eq = cls == t[None]
    se = jnp.sum(jnp.exp(p), axis=0)
    pt = jnp.sum(jnp.where(eq, p, 0.0), axis=0)
    nll = jnp.log(se) - pt
    s_part = jnp.sum(jnp.where(eq, nll[None], 0.0), axis=(1, 2))[None]

    @pl.when(j == 0)
    def _():
        out_ref[0] = s_part

    @pl.when(j != 0)
    def _():
        out_ref[0] += s_part


def _sc_hist(t2d):
    rows = t2d.shape[0]

    @pl.kernel(
        out_type=jax.ShapeDtypeStruct((_NSUB, _HBINS), jnp.float32),
        mesh=plsc.VectorSubcoreMesh(core_axis_name="c", subcore_axis_name="s"),
        scratch_types=[pltpu.VMEM((_HBINS,), jnp.float32),
                       pltpu.SemaphoreType.DMA],
        compiler_params=_SC_PARAMS,
    )
    def run(t_hbm, o_hbm, hist_ref, sem):
        @pl.loop(0, _HBINS, step=_LANES)
        def _(i):
            hist_ref[pl.ds(i, _LANES)] = jnp.zeros((_LANES,), jnp.float32)

        ones = jnp.ones((_LANES,), jnp.float32)

        def body(tv):
            @pl.loop(0, _BLKR)
            def _(r):
                for c in range(0, 512, _LANES):
                    v = tv[r, pl.ds(c, _LANES)]
                    plsc.addupdate_scatter(hist_ref, [v], ones)

        pltpu.emit_pipeline(
            body,
            grid=(rows // _BLKR,),
            in_specs=[pl.BlockSpec((_BLKR, 512), lambda i: (i, 0))],
            out_specs=[],
            core_axis_name=("c", "s"),
            dimension_semantics=(pltpu.PARALLEL,),
        )(t_hbm)

        cidx = jax.lax.axis_index("c")
        sidx = jax.lax.axis_index("s")
        pltpu.async_copy(hist_ref, o_hbm.at[cidx * 16 + sidx], sem).wait()

    return run(t2d)


def _combine_body(s_ref, f_ref, o_ref):
    s = s_ref[...][:, 0, :]
    s = jnp.sum(s, axis=0)
    f = jnp.sum(f_ref[...], axis=0)[: _C]
    o_ref[0, 0] = jnp.sum(s * f) / jnp.sum(f * f)


def kernel(predict, target):
    n, c, h, w = predict.shape
    t32 = target.astype(jnp.int32)

    fstats = _sc_hist(t32.reshape(n * h, w))

    sstats = pl.pallas_call(
        _stats_body,
        grid=(n, h // _BH),
        in_specs=[
            pl.BlockSpec((1, c, _BH, w), lambda i, j: (i, 0, j, 0)),
            pl.BlockSpec((1, _BH, w), lambda i, j: (i, j, 0)),
        ],
        out_specs=pl.BlockSpec((1, 1, c), lambda i, j: (i, 0, 0)),
        out_shape=jax.ShapeDtypeStruct((n, 1, c), jnp.float32),
        compiler_params=pltpu.CompilerParams(
            dimension_semantics=("parallel", "arbitrary"),
        ),
    )(predict, t32)

    loss = pl.pallas_call(
        _combine_body,
        out_specs=pl.BlockSpec(memory_space=pltpu.MemorySpace.SMEM),
        out_shape=jax.ShapeDtypeStruct((1, 1), jnp.float32),
    )(sstats, fstats)
    return loss[0, 0]

# --- scband reference (transcript-rebuilt; emitter-appended) ---
"""Pipeline reference for scband-cross-entropy2d-18219251269989 (READ-ONLY COPY).

The authoritative reference and input builder live on the scoring server;
editing this copy changes nothing except your own understanding.
"""

import jax, jax.numpy as jnp
import numpy as np

NUM_CLASSES = 19
IGNORE_LABEL = 255

def setup_inputs(seed: int = 0) -> dict:
    key = jax.random.key(seed)
    k1, k2 = jax.random.split(key)
    predict = jax.random.normal(k1, (8, NUM_CLASSES, 512, 512), dtype=jnp.float32)
    target = jax.random.randint(k2, (8, 512, 512), 0, NUM_CLASSES, dtype=jnp.int64)
    return {"predict": predict, "target": target}

def reference(predict, target):
    n, c, h, w = predict.shape
    # online class weights from label frequency (computed over full target, pre-mask)
    freq = jnp.stack([jnp.sum(target == k).astype(jnp.float32) for k in range(NUM_CLASSES)])
    weight = freq / jnp.sum(freq)
    # valid-pixel mask (target >= 0 and target != ignore_label)
    mask = (target >= 0) & (target != IGNORE_LABEL)
    mask_f = mask.reshape(-1).astype(jnp.float32)
    # gather per-pixel logits: (n,c,h,w) -> (n,h,w,c) -> (n*h*w, c)
    logits = jnp.transpose(predict, (0, 2, 3, 1)).reshape(-1, c)
    t = target.reshape(-1)
    t_safe = jnp.clip(t, 0, c - 1)
    logp = jax.nn.log_softmax(logits, axis=-1)
    nll = -jnp.take_along_axis(logp, t_safe[:, None], axis=1)[:, 0]
    w = jnp.take(weight, t_safe)
    # weighted mean over valid pixels == nn.CrossEntropyLoss(weight=..., reduction='mean')
    loss = jnp.sum(nll * w * mask_f) / jnp.sum(w * mask_f)
    return loss

if __name__ == "__main__":
    import jax
    _d = setup_inputs()
    print(jax.jit(kernel)(*tuple(_d.values())))

</pallas_src>

<mosaic_0001>
#map = affine_map<(d0, d1) -> (0, 0)>
module attributes {stable_mosaic.version = 14 : i64} {
  func.func @run(%arg0: i32, %arg1: i32, %arg2: memref<4096x512xi32, #tpu.memory_space<hbm>>, %arg3: memref<32x32xf32, #tpu.memory_space<hbm>>, %arg4: memref<32xf32, #tpu.memory_space<vmem>>, %arg5: memref<!tpu.dma_semaphore, #tpu.memory_space<semaphore_mem>>) attributes {dimension_semantics = [#tpu.dimension_semantics<core_parallel>, #tpu.dimension_semantics<subcore_parallel>], iteration_bounds = array<i64: 2, 16>, scalar_prefetch = 0 : i64, scratch_operands = 2 : i64, tpu.core_type = #tpu.core_type<sc_vector_subcore>, window_params = [{transform_indices = #map}, {transform_indices = #map}]} {
    %scan3A = arith.constant 0 : i32
    %scan3A_0 = arith.constant 2 : i32
    %scan3A_1 = arith.addi %scan3A, %scan3A_0 : i32
    %scan3A_2 = arith.constant 1 : i32
    scf.for %scan3A_25 = %scan3A to %scan3A_1 step %scan3A_2  : i32 {
      %mul3A_26 = arith.constant 16 : i32
      %mul3A_27 = arith.muli %scan3A_25, %mul3A_26 : i32
      %add3A_28 = arith.constant 0 : i32
      %add3A_29 = arith.addi %add3A_28, %mul3A_27 : i32
      %broadcast_in_dim3A_30 = arith.constant 0.000000e+00 : f32
      %broadcast_in_dim3A_31 = vector.broadcast %broadcast_in_dim3A_30 : f32 to vector<16xf32>
      %swap3A = arith.index_cast %add3A_29 : i32 to index
      %swap3A_32 = tpu.vector_load %arg4[%swap3A] {strides = array<i32>} : memref<32xf32, #tpu.memory_space<vmem>>, vector<16xf32>,
      tpu.vector_store %arg4[%swap3A], %broadcast_in_dim3A_31 {strides = array<i32>} : memref<32xf32, #tpu.memory_space<vmem>>, vector<16xf32>,
    }
    %scan3A_3 = arith.constant 2 : i32
    %broadcast_in_dim3A = arith.constant 1.000000e+00 : f32
    %broadcast_in_dim3A_4 = vector.broadcast %broadcast_in_dim3A : f32 to vector<16xf32>
    %mul3A = arith.constant 1 : i32
    %mul3A_5 = arith.muli %arg1, %mul3A : i32
    %add3A = arith.constant 0 : i32
    %add3A_6 = arith.addi %add3A, %mul3A_5 : i32
    %mul3A_7 = arith.constant 16 : i32
    %mul3A_8 = arith.muli %arg0, %mul3A_7 : i32
    %add3A_9 = arith.addi %add3A_6, %mul3A_8 : i32
    %mul3A_10 = arith.constant 8 : i32
    %mul3A_11 = arith.muli %add3A_9, %mul3A_10 : i32
    "tpu.region"() ({
      %run_scoped3A = memref.alloca() : memref<2x16x512xi32, #tpu.memory_space<vmem>>
      %run_scoped3A_25 = tpu.sem_alloc : memref<2x!tpu.dma_semaphore, #tpu.memory_space<semaphore_mem>>
      %add3A_26 = arith.constant 0 : i32
      %add3A_27 = arith.addi %add3A_26, %mul3A_11 : i32
      %select_n3A = arith.constant true
      %select_n3A_28 = arith.constant 0 : i32
      %select_n3A_29 = arith.constant -1 : i32
      %select_n3A_30 = arith.select %select_n3A, %select_n3A_29, %select_n3A_28 : i32
      %eq3A = arith.constant -1 : i32
      %eq3A_31 = arith.cmpi eq, %select_n3A_30, %eq3A : i32
      %select_n3A_32 = arith.constant 7 : i32
      %select_n3A_33 = arith.select %eq3A_31, %select_n3A_32, %select_n3A_30 : i32
      %add3A_34 = arith.addi %select_n3A_33, %mul3A_11 : i32
      %select_n3A_35 = arith.constant true
      %select_n3A_36 = arith.constant 0 : i32
      %select_n3A_37 = arith.constant 1 : i32
      %select_n3A_38 = arith.select %select_n3A_35, %select_n3A_37, %select_n3A_36 : i32
      %eq3A_39 = arith.constant 8 : i32
      %eq3A_40 = arith.cmpi eq, %select_n3A_38, %eq3A_39 : i32
      %select_n3A_41 = arith.constant 0 : i32
      %select_n3A_42 = arith.select %eq3A_40, %select_n3A_41, %select_n3A_38 : i32
      %add3A_43 = arith.addi %select_n3A_42, %mul3A_11 : i32
      %add3A_44 = arith.constant 1 : i32
      %add3A_45 = arith.addi %select_n3A_42, %add3A_44 : i32
      %select_n3A_46 = arith.constant true
      %select_n3A_47 = arith.select %select_n3A_46, %add3A_45, %select_n3A_42 : i32
      %eq3A_48 = arith.constant 8 : i32
      %eq3A_49 = arith.cmpi eq, %select_n3A_47, %eq3A_48 : i32
      %select_n3A_50 = arith.constant 0 : i32
      %select_n3A_51 = arith.select %eq3A_49, %select_n3A_50, %select_n3A_47 : i32
      %add3A_52 = arith.addi %select_n3A_51, %mul3A_11 : i32
      "tpu.trace_start"() <{level = 10 : i32, message = "ep_initialize_0"}> : () -> ()
      %rem3A = arith.constant 0 : i32
      %rem3A_53 = arith.constant 2 : i32
      %rem3A_54 = arith.remui %rem3A, %rem3A_53 : i32
      %mul3A_55 = arith.constant 16 : i32
      %mul3A_56 = arith.muli %mul3A_55, %add3A_27 : i32
      %dma_start3A_57 = arith.constant 0 : i32
      %dma_start3A_58 = arith.constant 0 : i32
      %dma_start3A_59 = tpu.memref_slice %run_scoped3A[%rem3A_54, %dma_start3A_57, %dma_start3A_58] : memref<2x16x512xi32, #tpu.memory_space<vmem>> -> memref<1x16x512xi32, #tpu.memory_space<vmem>>
      %dma_start3A_60 = tpu.memref_squeeze %dma_start3A_59 : memref<1x16x512xi32, #tpu.memory_space<vmem>> -> memref<16x512xi32, #tpu.memory_space<vmem>>
      %dma_start3A_61 = arith.constant 0 : i32
      %dma_start3A_62 = tpu.memref_slice %arg2[%mul3A_56, %dma_start3A_61] : memref<4096x512xi32, #tpu.memory_space<hbm>> -> memref<16x512xi32, #tpu.memory_space<hbm>>
      %dma_start3A_63 = tpu.memref_slice %run_scoped3A_25[%rem3A_54] : memref<2x!tpu.dma_semaphore, #tpu.memory_space<semaphore_mem>> -> memref<1x!tpu.dma_semaphore, #tpu.memory_space<semaphore_mem>>
      %dma_start3A_64 = tpu.memref_squeeze %dma_start3A_63 : memref<1x!tpu.dma_semaphore, #tpu.memory_space<semaphore_mem>> -> memref<!tpu.dma_semaphore, #tpu.memory_space<semaphore_mem>>
      %dma_start3A_65 = arith.constant 0 : i32
      %dma_start3A_66 = arith.constant 0 : i32
      %dma_start3A_67 = tpu.memref_slice %run_scoped3A[%rem3A_54, %dma_start3A_65, %dma_start3A_66] : memref<2x16x512xi32, #tpu.memory_space<vmem>> -> memref<1x16x512xi32, #tpu.memory_space<vmem>>
      %dma_start3A_68 = tpu.memref_squeeze %dma_start3A_67 : memref<1x16x512xi32, #tpu.memory_space<vmem>> -> memref<16x512xi32, #tpu.memory_space<vmem>>
      %dma_start3A_69 = arith.constant 0 : i32
      %dma_start3A_70 = tpu.memref_slice %arg2[%mul3A_56, %dma_start3A_69] : memref<4096x512xi32, #tpu.memory_space<hbm>> -> memref<16x512xi32, #tpu.memory_space<hbm>>
      tpu.enqueue_dma source(%dma_start3A_70 : memref<16x512xi32, #tpu.memory_space<hbm>>) target(%dma_start3A_68 : memref<16x512xi32, #tpu.memory_space<vmem>>) target_semaphore(%dma_start3A_64 : memref<!tpu.dma_semaphore, #tpu.memory_space<semaphore_mem>>)
      %add3A_71 = arith.constant 0 : i32
      %add3A_72 = arith.constant 1 : i32
      %add3A_73 = arith.addi %add3A_71, %add3A_72 : i32
      %select_n3A_74 = arith.constant true
      %select_n3A_75 = arith.constant 0 : i32
      %select_n3A_76 = arith.select %select_n3A_74, %add3A_73, %select_n3A_75 : i32
      "tpu.trace_stop"() : () -> ()
      %scan3A_77 = arith.constant 0 : i32
      %scan3A_78 = arith.constant 0 : i32
      %scan3A_79 = arith.constant 0 : i32
      %scan3A_80 = arith.constant 8 : i32
      %scan3A_81 = arith.addi %scan3A_79, %scan3A_80 : i32
      %scan3A_82 = arith.constant 1 : i32
      %scan3A_83:3 = scf.for %scan3A_120 = %scan3A_79 to %scan3A_81 step %scan3A_82 iter_args(%scan3A_121 = %select_n3A_76, %scan3A_122 = %scan3A_77, %scan3A_123 = %scan3A_78) -> (i32, i32, i32)  : i32 {
        %eq3A_124 = arith.constant 0 : i32
        %eq3A_125 = arith.cmpi eq, %scan3A_120, %eq3A_124 : i32
        %eq3A_126 = arith.constant 7 : i32
        %eq3A_127 = arith.cmpi eq, %scan3A_120, %eq3A_126 : i32
        %add3A_128 = arith.addi %scan3A_123, %mul3A_11 : i32
        %sub3A_129 = arith.constant 1 : i32
        %sub3A_130 = arith.subi %scan3A_123, %sub3A_129 : i32
        %select_n3A_131 = arith.constant true
        %select_n3A_132 = arith.select %select_n3A_131, %sub3A_130, %scan3A_123 : i32
        %eq3A_133 = arith.constant -1 : i32
        %eq3A_134 = arith.cmpi eq, %select_n3A_132, %eq3A_133 : i32
        %select_n3A_135 = arith.constant 7 : i32
        %select_n3A_136 = arith.select %eq3A_134, %select_n3A_135, %select_n3A_132 : i32
        %add3A_137 = arith.addi %select_n3A_136, %mul3A_11 : i32
        %add3A_138 = arith.constant 1 : i32
        %add3A_139 = arith.addi %scan3A_123, %add3A_138 : i32
        %select_n3A_140 = arith.constant true
        %select_n3A_141 = arith.select %select_n3A_140, %add3A_139, %scan3A_123 : i32
        %eq3A_142 = arith.constant 8 : i32
        %eq3A_143 = arith.cmpi eq, %select_n3A_141, %eq3A_142 : i32
        %select_n3A_144 = arith.constant 0 : i32
        %select_n3A_145 = arith.select %eq3A_143, %select_n3A_144, %select_n3A_141 : i32
        %add3A_146 = arith.addi %select_n3A_145, %mul3A_11 : i32
        %add3A_147 = arith.constant 1 : i32
        %add3A_148 = arith.addi %select_n3A_145, %add3A_147 : i32
        %select_n3A_149 = arith.constant true
        %select_n3A_150 = arith.select %select_n3A_149, %add3A_148, %select_n3A_145 : i32
        %eq3A_151 = arith.constant 8 : i32
        %eq3A_152 = arith.cmpi eq, %select_n3A_150, %eq3A_151 : i32
        %select_n3A_153 = arith.constant 0 : i32
        %select_n3A_154 = arith.select %eq3A_152, %select_n3A_153, %select_n3A_150 : i32
        %add3A_155 = arith.addi %select_n3A_154, %mul3A_11 : i32
        %ne3A = arith.cmpi ne, %add3A_128, %add3A_146 : i32
        %or3A = arith.constant false
        %or3A_156 = arith.ori %or3A, %ne3A : i1
        %or3A_157 = arith.constant false
        %or3A_158 = arith.ori %or3A_156, %or3A_157 : i1
        %ge3A = arith.constant 7 : i32
        %ge3A_159 = arith.cmpi sge, %scan3A_120, %ge3A : i32
        %not3A = arith.constant true
        %not3A_160 = arith.xori %ge3A_159, %not3A : i1
        %and3A = arith.andi %or3A_158, %not3A_160 : i1
        %convert_element_type3A = arith.extui %and3A : i1 to i32
        %cond3A = arith.constant 0 : i32
        %cond3A_161 = arith.cmpi ne, %convert_element_type3A, %cond3A : i32
        scf.if %cond3A_161 {
          "tpu.trace_start"() <{level = 10 : i32, message = "ep_copy_in"}> : () -> ()
          %rem3A_224 = arith.constant 2 : i32
          %rem3A_225 = arith.remui %scan3A_121, %rem3A_224 : i32
          %mul3A_226 = arith.constant 16 : i32
          %mul3A_227 = arith.muli %mul3A_226, %add3A_146 : i32
          %dma_start3A_228 = arith.constant 0 : i32
          %dma_start3A_229 = arith.constant 0 : i32
          %dma_start3A_230 = tpu.memref_slice %run_scoped3A[%rem3A_225, %dma_start3A_228, %dma_start3A_229] : memref<2x16x512xi32, #tpu.memory_space<vmem>> -> memref<1x16x512xi32, #tpu.memory_space<vmem>>
          %dma_start3A_231 = tpu.memref_squeeze %dma_start3A_230 : memref<1x16x512xi32, #tpu.memory_space<vmem>> -> memref<16x512xi32, #tpu.memory_space<vmem>>
          %dma_start3A_232 = arith.constant 0 : i32
          %dma_start3A_233 = tpu.memref_slice %arg2[%mul3A_227, %dma_start3A_232] : memref<4096x512xi32, #tpu.memory_space<hbm>> -> memref<16x512xi32, #tpu.memory_space<hbm>>
          %dma_start3A_234 = tpu.memref_slice %run_scoped3A_25[%rem3A_225] : memref<2x!tpu.dma_semaphore, #tpu.memory_space<semaphore_mem>> -> memref<1x!tpu.dma_semaphore, #tpu.memory_space<semaphore_mem>>
          %dma_start3A_235 = tpu.memref_squeeze %dma_start3A_234 : memref<1x!tpu.dma_semaphore, #tpu.memory_space<semaphore_mem>> -> memref<!tpu.dma_semaphore, #tpu.memory_space<semaphore_mem>>
          %dma_start3A_236 = arith.constant 0 : i32
          %dma_start3A_237 = arith.constant 0 : i32
          %dma_start3A_238 = tpu.memref_slice %run_scoped3A[%rem3A_225, %dma_start3A_236, %dma_start3A_237] : memref<2x16x512xi32, #tpu.memory_space<vmem>> -> memref<1x16x512xi32, #tpu.memory_space<vmem>>
          %dma_start3A_239 = tpu.memref_squeeze %dma_start3A_238 : memref<1x16x512xi32, #tpu.memory_space<vmem>> -> memref<16x512xi32, #tpu.memory_space<vmem>>
          %dma_start3A_240 = arith.constant 0 : i32
          %dma_start3A_241 = tpu.memref_slice %arg2[%mul3A_227, %dma_start3A_240] : memref<4096x512xi32, #tpu.memory_space<hbm>> -> memref<16x512xi32, #tpu.memory_space<hbm>>
          tpu.enqueue_dma source(%dma_start3A_241 : memref<16x512xi32, #tpu.memory_space<hbm>>) target(%dma_start3A_239 : memref<16x512xi32, #tpu.memory_space<vmem>>) target_semaphore(%dma_start3A_235 : memref<!tpu.dma_semaphore, #tpu.memory_space<semaphore_mem>>)
          "tpu.trace_stop"() : () -> ()
        } else {
        }
        %and3A_162 = arith.constant true
        %and3A_163 = arith.andi %and3A, %and3A_162 : i1
        %add3A_164 = arith.constant 1 : i32
        %add3A_165 = arith.addi %scan3A_121, %add3A_164 : i32
        %select_n3A_166 = arith.select %and3A_163, %add3A_165, %scan3A_121 : i32
        %ne3A_167 = arith.cmpi ne, %add3A_128, %add3A_137 : i32
        %or3A_168 = arith.constant false
        %or3A_169 = arith.ori %or3A_168, %ne3A_167 : i1
        %or3A_170 = arith.constant false
        %or3A_171 = arith.ori %or3A_169, %or3A_170 : i1
        %or3A_172 = arith.ori %or3A_171, %eq3A_125 : i1
        %convert_element_type3A_173 = arith.extui %or3A_172 : i1 to i32
        %cond3A_174 = arith.constant 0 : i32
        %cond3A_175 = arith.cmpi ne, %convert_element_type3A_173, %cond3A_174 : i32
        scf.if %cond3A_175 {
          "tpu.trace_start"() <{level = 10 : i32, message = "ep_wait_in"}> : () -> ()
          %mul3A_224 = arith.constant 16 : i32
          %mul3A_225 = arith.muli %mul3A_224, %add3A_128 : i32
          %rem3A_226 = arith.constant 2 : i32
          %rem3A_227 = arith.remui %scan3A_122, %rem3A_226 : i32
          %dma_wait3A_228 = arith.constant 0 : i32
          %dma_wait3A_229 = arith.constant 0 : i32
          %dma_wait3A_230 = tpu.memref_slice %run_scoped3A[%rem3A_227, %dma_wait3A_228, %dma_wait3A_229] : memref<2x16x512xi32, #tpu.memory_space<vmem>> -> memref<1x16x512xi32, #tpu.memory_space<vmem>>
          %dma_wait3A_231 = tpu.memref_squeeze %dma_wait3A_230 : memref<1x16x512xi32, #tpu.memory_space<vmem>> -> memref<16x512xi32, #tpu.memory_space<vmem>>
          %dma_wait3A_232 = arith.constant 0 : i32
          %dma_wait3A_233 = tpu.memref_slice %arg2[%mul3A_225, %dma_wait3A_232] : memref<4096x512xi32, #tpu.memory_space<hbm>> -> memref<16x512xi32, #tpu.memory_space<hbm>>
          %dma_wait3A_234 = tpu.memref_slice %run_scoped3A_25[%rem3A_227] : memref<2x!tpu.dma_semaphore, #tpu.memory_space<semaphore_mem>> -> memref<1x!tpu.dma_semaphore, #tpu.memory_space<semaphore_mem>>
          %dma_wait3A_235 = tpu.memref_squeeze %dma_wait3A_234 : memref<1x!tpu.dma_semaphore, #tpu.memory_space<semaphore_mem>> -> memref<!tpu.dma_semaphore, #tpu.memory_space<semaphore_mem>>
          %dma_wait3A_236 = arith.constant 0 : i32
          %dma_wait3A_237 = arith.constant 0 : i32
          %dma_wait3A_238 = tpu.memref_slice %run_scoped3A[%rem3A_227, %dma_wait3A_236, %dma_wait3A_237] : memref<2x16x512xi32, #tpu.memory_space<vmem>> -> memref<1x16x512xi32, #tpu.memory_space<vmem>>
          %dma_wait3A_239 = tpu.memref_squeeze %dma_wait3A_238 : memref<1x16x512xi32, #tpu.memory_space<vmem>> -> memref<16x512xi32, #tpu.memory_space<vmem>>
          %dma_wait3A_240 = arith.constant 0 : i32
          %dma_wait3A_241 = tpu.memref_slice %arg2[%mul3A_225, %dma_wait3A_240] : memref<4096x512xi32, #tpu.memory_space<hbm>> -> memref<16x512xi32, #tpu.memory_space<hbm>>
          tpu.wait_dma2 semaphore(%dma_wait3A_235 : memref<!tpu.dma_semaphore, #tpu.memory_space<semaphore_mem>>) src(%dma_wait3A_241 : memref<16x512xi32, #tpu.memory_space<hbm>>) dst(%dma_wait3A_239 : memref<16x512xi32, #tpu.memory_space<vmem>>)
          "tpu.trace_stop"() : () -> ()
        } else {
        }
        %rem3A_176 = arith.constant 2 : i32
        %rem3A_177 = arith.remui %scan3A_122, %rem3A_176 : i32
        "tpu.trace_start"() <{level = 10 : i32, message = "ep_run_kernel"}> : () -> ()
        %scan3A_178 = arith.constant 0 : i32
        %scan3A_179 = arith.constant 16 : i32
        %scan3A_180 = arith.addi %scan3A_178, %scan3A_179 : i32
        %scan3A_181 = arith.constant 1 : i32
        scf.for %scan3A_224 = %scan3A_178 to %scan3A_180 step %scan3A_181  : i32 {
          %mul3A_225 = arith.constant 1 : i32
          %mul3A_226 = arith.muli %scan3A_224, %mul3A_225 : i32
          %add3A_227 = arith.constant 0 : i32
          %add3A_228 = arith.addi %add3A_227, %mul3A_226 : i32
          %get3A = arith.constant 0 : i32
          %get3A_229 = arith.constant 0 : i32
          %get3A_230 = tpu.memref_slice %run_scoped3A[%rem3A_177, %get3A, %get3A_229] : memref<2x16x512xi32, #tpu.memory_space<vmem>> -> memref<1x16x512xi32, #tpu.memory_space<vmem>>
          %get3A_231 = tpu.memref_squeeze %get3A_230 : memref<1x16x512xi32, #tpu.memory_space<vmem>> -> memref<16x512xi32, #tpu.memory_space<vmem>>
          %get3A_232 = arith.index_cast %add3A_228 : i32 to index
          %get3A_233 = arith.constant 0 : index
          %get3A_234 = tpu.vector_load %get3A_231[%get3A_232, %get3A_233] {strides = array<i32>} : memref<16x512xi32, #tpu.memory_space<vmem>>, vector<16xi32>,
          tpu.vector_store_idx %arg4[%get3A_234], %broadcast_in_dim3A_4 {add = true} : memref<32xf32, #tpu.memory_space<vmem>>[vector<16xi32>], vector<16xf32>,
          %get3A_235 = arith.constant 0 : i32
          %get3A_236 = arith.constant 0 : i32
          %get3A_237 = tpu.memref_slice %run_scoped3A[%rem3A_177, %get3A_235, %get3A_236] : memref<2x16x512xi32, #tpu.memory_space<vmem>> -> memref<1x16x512xi32, #tpu.memory_space<vmem>>
          %get3A_238 = tpu.memref_squeeze %get3A_237 : memref<1x16x512xi32, #tpu.memory_space<vmem>> -> memref<16x512xi32, #tpu.memory_space<vmem>>
          %get3A_239 = arith.index_cast %add3A_228 : i32 to index
          %get3A_240 = arith.constant 16 : index
          %get3A_241 = tpu.vector_load %get3A_238[%get3A_239, %get3A_240] {strides = array<i32>} : memref<16x512xi32, #tpu.memory_space<vmem>>, vector<16xi32>,
          tpu.vector_store_idx %arg4[%get3A_241], %broadcast_in_dim3A_4 {add = true} : memref<32xf32, #tpu.memory_space<vmem>>[vector<16xi32>], vector<16xf32>,
          %get3A_242 = arith.constant 0 : i32
          %get3A_243 = arith.constant 0 : i32
          %get3A_244 = tpu.memref_slice %run_scoped3A[%rem3A_177, %get3A_242, %get3A_243] : memref<2x16x512xi32, #tpu.memory_space<vmem>> -> memref<1x16x512xi32, #tpu.memory_space<vmem>>
          %get3A_245 = tpu.memref_squeeze %get3A_244 : memref<1x16x512xi32, #tpu.memory_space<vmem>> -> memref<16x512xi32, #tpu.memory_space<vmem>>
          %get3A_246 = arith.index_cast %add3A_228 : i32 to index
          %get3A_247 = arith.constant 32 : index
          %get3A_248 = tpu.vector_load %get3A_245[%get3A_246, %get3A_247] {strides = array<i32>} : memref<16x512xi32, #tpu.memory_space<vmem>>, vector<16xi32>,
          tpu.vector_store_idx %arg4[%get3A_248], %broadcast_in_dim3A_4 {add = true} : memref<32xf32, #tpu.memory_space<vmem>>[vector<16xi32>], vector<16xf32>,
          %get3A_249 = arith.constant 0 : i32
          %get3A_250 = arith.constant 0 : i32
          %get3A_251 = tpu.memref_slice %run_scoped3A[%rem3A_177, %get3A_249, %get3A_250] : memref<2x16x512xi32, #tpu.memory_space<vmem>> -> memref<1x16x512xi32, #tpu.memory_space<vmem>>
          %get3A_252 = tpu.memref_squeeze %get3A_251 : memref<1x16x512xi32, #tpu.memory_space<vmem>> -> memref<16x512xi32, #tpu.memory_space<vmem>>
          %get3A_253 = arith.index_cast %add3A_228 : i32 to index
          %get3A_254 = arith.constant 48 : index
          %get3A_255 = tpu.vector_load %get3A_252[%get3A_253, %get3A_254] {strides = array<i32>} : memref<16x512xi32, #tpu.memory_space<vmem>>, vector<16xi32>,
          tpu.vector_store_idx %arg4[%get3A_255], %broadcast_in_dim3A_4 {add = true} : memref<32xf32, #tpu.memory_space<vmem>>[vector<16xi32>], vector<16xf32>,
          %get3A_256 = arith.constant 0 : i32
          %get3A_257 = arith.constant 0 : i32
          %get3A_258 = tpu.memref_slice %run_scoped3A[%rem3A_177, %get3A_256, %get3A_257] : memref<2x16x512xi32, #tpu.memory_space<vmem>> -> memref<1x16x512xi32, #tpu.memory_space<vmem>>
          %get3A_259 = tpu.memref_squeeze %get3A_258 : memref<1x16x512xi32, #tpu.memory_space<vmem>> -> memref<16x512xi32, #tpu.memory_space<vmem>>
          %get3A_260 = arith.index_cast %add3A_228 : i32 to index
          %get3A_261 = arith.constant 64 : index
          %get3A_262 = tpu.vector_load %get3A_259[%get3A_260, %get3A_261] {strides = array<i32>} : memref<16x512xi32, #tpu.memory_space<vmem>>, vector<16xi32>,
          tpu.vector_store_idx %arg4[%get3A_262], %broadcast_in_dim3A_4 {add = true} : memref<32xf32, #tpu.memory_space<vmem>>[vector<16xi32>], vector<16xf32>,
          %get3A_263 = arith.constant 0 : i32
          %get3A_264 = arith.constant 0 : i32
          %get3A_265 = tpu.memref_slice %run_scoped3A[%rem3A_177, %get3A_263, %get3A_264] : memref<2x16x512xi32, #tpu.memory_space<vmem>> -> memref<1x16x512xi32, #tpu.memory_space<vmem>>
          %get3A_266 = tpu.memref_squeeze %get3A_265 : memref<1x16x512xi32, #tpu.memory_space<vmem>> -> memref<16x512xi32, #tpu.memory_space<vmem>>
          %get3A_267 = arith.index_cast %add3A_228 : i32 to index
          %get3A_268 = arith.constant 80 : index
          %get3A_269 = tpu.vector_load %get3A_266[%get3A_267, %get3A_268] {strides = array<i32>} : memref<16x512xi32, #tpu.memory_space<vmem>>, vector<16xi32>,
          tpu.vector_store_idx %arg4[%get3A_269], %broadcast_in_dim3A_4 {add = true} : memref<32xf32, #tpu.memory_space<vmem>>[vector<16xi32>], vector<16xf32>,
          %get3A_270 = arith.constant 0 : i32
          %get3A_271 = arith.constant 0 : i32
          %get3A_272 = tpu.memref_slice %run_scoped3A[%rem3A_177, %get3A_270, %get3A_271] : memref<2x16x512xi32, #tpu.memory_space<vmem>> -> memref<1x16x512xi32, #tpu.memory_space<vmem>>
          %get3A_273 = tpu.memref_squeeze %get3A_272 : memref<1x16x512xi32, #tpu.memory_space<vmem>> -> memref<16x512xi32, #tpu.memory_space<vmem>>
          %get3A_274 = arith.index_cast %add3A_228 : i32 to index
          %get3A_275 = arith.constant 96 : index
          %get3A_276 = tpu.vector_load %get3A_273[%get3A_274, %get3A_275] {strides = array<i32>} : memref<16x512xi32, #tpu.memory_space<vmem>>, vector<16xi32>,
          tpu.vector_store_idx %arg4[%get3A_276], %broadcast_in_dim3A_4 {add = true} : memref<32xf32, #tpu.memory_space<vmem>>[vector<16xi32>], vector<16xf32>,
          %get3A_277 = arith.constant 0 : i32
          %get3A_278 = arith.constant 0 : i32
          %get3A_279 = tpu.memref_slice %run_scoped3A[%rem3A_177, %get3A_277, %get3A_278] : memref<2x16x512xi32, #tpu.memory_space<vmem>> -> memref<1x16x512xi32, #tpu.memory_space<vmem>>
          %get3A_280 = tpu.memref_squeeze %get3A_279 : memref<1x16x512xi32, #tpu.memory_space<vmem>> -> memref<16x512xi32, #tpu.memory_space<vmem>>
          %get3A_281 = arith.index_cast %add3A_228 : i32 to index
          %get3A_282 = arith.constant 112 : index
          %get3A_283 = tpu.vector_load %get3A_280[%get3A_281, %get3A_282] {strides = array<i32>} : memref<16x512xi32, #tpu.memory_space<vmem>>, vector<16xi32>,
          tpu.vector_store_idx %arg4[%get3A_283], %broadcast_in_dim3A_4 {add = true} : memref<32xf32, #tpu.memory_space<vmem>>[vector<16xi32>], vector<16xf32>,
          %get3A_284 = arith.constant 0 : i32
          %get3A_285 = arith.constant 0 : i32
          %get3A_286 = tpu.memref_slice %run_scoped3A[%rem3A_177, %get3A_284, %get3A_285] : memref<2x16x512xi32, #tpu.memory_space<vmem>> -> memref<1x16x512xi32, #tpu.memory_space<vmem>>
          %get3A_287 = tpu.memref_squeeze %get3A_286 : memref<1x16x512xi32, #tpu.memory_space<vmem>> -> memref<16x512xi32, #tpu.memory_space<vmem>>
          %get3A_288 = arith.index_cast %add3A_228 : i32 to index
          %get3A_289 = arith.constant 128 : index
          %get3A_290 = tpu.vector_load %get3A_287[%get3A_288, %get3A_289] {strides = array<i32>} : memref<16x512xi32, #tpu.memory_space<vmem>>, vector<16xi32>,
          tpu.vector_store_idx %arg4[%get3A_290], %broadcast_in_dim3A_4 {add = true} : memref<32xf32, #tpu.memory_space<vmem>>[vector<16xi32>], vector<16xf32>,
          %get3A_291 = arith.constant 0 : i32
          %get3A_292 = arith.constant 0 : i32
          %get3A_293 = tpu.memref_slice %run_scoped3A[%rem3A_177, %get3A_291, %get3A_292] : memref<2x16x512xi32, #tpu.memory_space<vmem>> -> memref<1x16x512xi32, #tpu.memory_space<vmem>>
          %get3A_294 = tpu.memref_squeeze %get3A_293 : memref<1x16x512xi32, #tpu.memory_space<vmem>> -> memref<16x512xi32, #tpu.memory_space<vmem>>
          %get3A_295 = arith.index_cast %add3A_228 : i32 to index
          %get3A_296 = arith.constant 144 : index
          %get3A_297 = tpu.vector_load %get3A_294[%get3A_295, %get3A_296] {strides = array<i32>} : memref<16x512xi32, #tpu.memory_space<vmem>>, vector<16xi32>,
          tpu.vector_store_idx %arg4[%get3A_297], %broadcast_in_dim3A_4 {add = true} : memref<32xf32, #tpu.memory_space<vmem>>[vector<16xi32>], vector<16xf32>,
          %get3A_298 = arith.constant 0 : i32
          %get3A_299 = arith.constant 0 : i32
          %get3A_300 = tpu.memref_slice %run_scoped3A[%rem3A_177, %get3A_298, %get3A_299] : memref<2x16x512xi32, #tpu.memory_space<vmem>> -> memref<1x16x512xi32, #tpu.memory_space<vmem>>
          %get3A_301 = tpu.memref_squeeze %get3A_300 : memref<1x16x512xi32, #tpu.memory_space<vmem>> -> memref<16x512xi32, #tpu.memory_space<vmem>>
          %get3A_302 = arith.index_cast %add3A_228 : i32 to index
          %get3A_303 = arith.constant 160 : index
          %get3A_304 = tpu.vector_load %get3A_301[%get3A_302, %get3A_303] {strides = array<i32>} : memref<16x512xi32, #tpu.memory_space<vmem>>, vector<16xi32>,
          tpu.vector_store_idx %arg4[%get3A_304], %broadcast_in_dim3A_4 {add = true} : memref<32xf32, #tpu.memory_space<vmem>>[vector<16xi32>], vector<16xf32>,
          %get3A_305 = arith.constant 0 : i32
          %get3A_306 = arith.constant 0 : i32
          %get3A_307 = tpu.memref_slice %run_scoped3A[%rem3A_177, %get3A_305, %get3A_306] : memref<2x16x512xi32, #tpu.memory_space<vmem>> -> memref<1x16x512xi32, #tpu.memory_space<vmem>>
          %get3A_308 = tpu.memref_squeeze %get3A_307 : memref<1x16x512xi32, #tpu.memory_space<vmem>> -> memref<16x512xi32, #tpu.memory_space<vmem>>
          %get3A_309 = arith.index_cast %add3A_228 : i32 to index
          %get3A_310 = arith.constant 176 : index
          %get3A_311 = tpu.vector_load %get3A_308[%get3A_309, %get3A_310] {strides = array<i32>} : memref<16x512xi32, #tpu.memory_space<vmem>>, vector<16xi32>,
          tpu.vector_store_idx %arg4[%get3A_311], %broadcast_in_dim3A_4 {add = true} : memref<32xf32, #tpu.memory_space<vmem>>[vector<16xi32>], vector<16xf32>,
          %get3A_312 = arith.constant 0 : i32
          %get3A_313 = arith.constant 0 : i32
          %get3A_314 = tpu.memref_slice %run_scoped3A[%rem3A_177, %get3A_312, %get3A_313] : memref<2x16x512xi32, #tpu.memory_space<vmem>> -> memref<1x16x512xi32, #tpu.memory_space<vmem>>
          %get3A_315 = tpu.memref_squeeze %get3A_314 : memref<1x16x512xi32, #tpu.memory_space<vmem>> -> memref<16x512xi32, #tpu.memory_space<vmem>>
          %get3A_316 = arith.index_cast %add3A_228 : i32 to index
          %get3A_317 = arith.constant 192 : index
          %get3A_318 = tpu.vector_load %get3A_315[%get3A_316, %get3A_317] {strides = array<i32>} : memref<16x512xi32, #tpu.memory_space<vmem>>, vector<16xi32>,
          tpu.vector_store_idx %arg4[%get3A_318], %broadcast_in_dim3A_4 {add = true} : memref<32xf32, #tpu.memory_space<vmem>>[vector<16xi32>], vector<16xf32>,
          %get3A_319 = arith.constant 0 : i32
          %get3A_320 = arith.constant 0 : i32
          %get3A_321 = tpu.memref_slice %run_scoped3A[%rem3A_177, %get3A_319, %get3A_320] : memref<2x16x512xi32, #tpu.memory_space<vmem>> -> memref<1x16x512xi32, #tpu.memory_space<vmem>>
          %get3A_322 = tpu.memref_squeeze %get3A_321 : memref<1x16x512xi32, #tpu.memory_space<vmem>> -> memref<16x512xi32, #tpu.memory_space<vmem>>
          %get3A_323 = arith.index_cast %add3A_228 : i32 to index
          %get3A_324 = arith.constant 208 : index
          %get3A_325 = tpu.vector_load %get3A_322[%get3A_323, %get3A_324] {strides = array<i32>} : memref<16x512xi32, #tpu.memory_space<vmem>>, vector<16xi32>,
          tpu.vector_store_idx %arg4[%get3A_325], %broadcast_in_dim3A_4 {add = true} : memref<32xf32, #tpu.memory_space<vmem>>[vector<16xi32>], vector<16xf32>,
          %get3A_326 = arith.constant 0 : i32
          %get3A_327 = arith.constant 0 : i32
          %get3A_328 = tpu.memref_slice %run_scoped3A[%rem3A_177, %get3A_326, %get3A_327] : memref<2x16x512xi32, #tpu.memory_space<vmem>> -> memref<1x16x512xi32, #tpu.memory_space<vmem>>
          %get3A_329 = tpu.memref_squeeze %get3A_328 : memref<1x16x512xi32, #tpu.memory_space<vmem>> -> memref<16x512xi32, #tpu.memory_space<vmem>>
          %get3A_330 = arith.index_cast %add3A_228 : i32 to index
          %get3A_331 = arith.constant 224 : index
          %get3A_332 = tpu.vector_load %get3A_329[%get3A_330, %get3A_331] {strides = array<i32>} : memref<16x512xi32, #tpu.memory_space<vmem>>, vector<16xi32>,
          tpu.vector_store_idx %arg4[%get3A_332], %broadcast_in_dim3A_4 {add = true} : memref<32xf32, #tpu.memory_space<vmem>>[vector<16xi32>], vector<16xf32>,
          %get3A_333 = arith.constant 0 : i32
          %get3A_334 = arith.constant 0 : i32
          %get3A_335 = tpu.memref_slice %run_scoped3A[%rem3A_177, %get3A_333, %get3A_334] : memref<2x16x512xi32, #tpu.memory_space<vmem>> -> memref<1x16x512xi32, #tpu.memory_space<vmem>>
          %get3A_336 = tpu.memref_squeeze %get3A_335 : memref<1x16x512xi32, #tpu.memory_space<vmem>> -> memref<16x512xi32, #tpu.memory_space<vmem>>
          %get3A_337 = arith.index_cast %add3A_228 : i32 to index
          %get3A_338 = arith.constant 240 : index
          %get3A_339 = tpu.vector_load %get3A_336[%get3A_337, %get3A_338] {strides = array<i32>} : memref<16x512xi32, #tpu.memory_space<vmem>>, vector<16xi32>,
          tpu.vector_store_idx %arg4[%get3A_339], %broadcast_in_dim3A_4 {add = true} : memref<32xf32, #tpu.memory_space<vmem>>[vector<16xi32>], vector<16xf32>,
          %get3A_340 = arith.constant 0 : i32
          %get3A_341 = arith.constant 0 : i32
          %get3A_342 = tpu.memref_slice %run_scoped3A[%rem3A_177, %get3A_340, %get3A_341] : memref<2x16x512xi32, #tpu.memory_space<vmem>> -> memref<1x16x512xi32, #tpu.memory_space<vmem>>
          %get3A_343 = tpu.memref_squeeze %get3A_342 : memref<1x16x512xi32, #tpu.memory_space<vmem>> -> memref<16x512xi32, #tpu.memory_space<vmem>>
          %get3A_344 = arith.index_cast %add3A_228 : i32 to index
          %get3A_345 = arith.constant 256 : index
          %get3A_346 = tpu.vector_load %get3A_343[%get3A_344, %get3A_345] {strides = array<i32>} : memref<16x512xi32, #tpu.memory_space<vmem>>, vector<16xi32>,
          tpu.vector_store_idx %arg4[%get3A_346], %broadcast_in_dim3A_4 {add = true} : memref<32xf32, #tpu.memory_space<vmem>>[vector<16xi32>], vector<16xf32>,
          %get3A_347 = arith.constant 0 : i32
          %get3A_348 = arith.constant 0 : i32
          %get3A_349 = tpu.memref_slice %run_scoped3A[%rem3A_177, %get3A_347, %get3A_348] : memref<2x16x512xi32, #tpu.memory_space<vmem>> -> memref<1x16x512xi32, #tpu.memory_space<vmem>>
          %get3A_350 = tpu.memref_squeeze %get3A_349 : memref<1x16x512xi32, #tpu.memory_space<vmem>> -> memref<16x512xi32, #tpu.memory_space<vmem>>
          %get3A_351 = arith.index_cast %add3A_228 : i32 to index
          %get3A_352 = arith.constant 272 : index
          %get3A_353 = tpu.vector_load %get3A_350[%get3A_351, %get3A_352] {strides = array<i32>} : memref<16x512xi32, #tpu.memory_space<vmem>>, vector<16xi32>,
          tpu.vector_store_idx %arg4[%get3A_353], %broadcast_in_dim3A_4 {add = true} : memref<32xf32, #tpu.memory_space<vmem>>[vector<16xi32>], vector<16xf32>,
          %get3A_354 = arith.constant 0 : i32
          %get3A_355 = arith.constant 0 : i32
          %get3A_356 = tpu.memref_slice %run_scoped3A[%rem3A_177, %get3A_354, %get3A_355] : memref<2x16x512xi32, #tpu.memory_space<vmem>> -> memref<1x16x512xi32, #tpu.memory_space<vmem>>
          %get3A_357 = tpu.memref_squeeze %get3A_356 : memref<1x16x512xi32, #tpu.memory_space<vmem>> -> memref<16x512xi32, #tpu.memory_space<vmem>>
          %get3A_358 = arith.index_cast %add3A_228 : i32 to index
          %get3A_359 = arith.constant 288 : index
          %get3A_360 = tpu.vector_load %get3A_357[%get3A_358, %get3A_359] {strides = array<i32>} : memref<16x512xi32, #tpu.memory_space<vmem>>, vector<16xi32>,
          tpu.vector_store_idx %arg4[%get3A_360], %broadcast_in_dim3A_4 {add = true} : memref<32xf32, #tpu.memory_space<vmem>>[vector<16xi32>], vector<16xf32>,
          %get3A_361 = arith.constant 0 : i32
          %get3A_362 = arith.constant 0 : i32
          %get3A_363 = tpu.memref_slice %run_scoped3A[%rem3A_177, %get3A_361, %get3A_362] : memref<2x16x512xi32, #tpu.memory_space<vmem>> -> memref<1x16x512xi32, #tpu.memory_space<vmem>>
          %get3A_364 = tpu.memref_squeeze %get3A_363 : memref<1x16x512xi32, #tpu.memory_space<vmem>> -> memref<16x512xi32, #tpu.memory_space<vmem>>
          %get3A_365 = arith.index_cast %add3A_228 : i32 to index
          %get3A_366 = arith.constant 304 : index
          %get3A_367 = tpu.vector_load %get3A_364[%get3A_365, %get3A_366] {strides = array<i32>} : memref<16x512xi32, #tpu.memory_space<vmem>>, vector<16xi32>,
          tpu.vector_store_idx %arg4[%get3A_367], %broadcast_in_dim3A_4 {add = true} : memref<32xf32, #tpu.memory_space<vmem>>[vector<16xi32>], vector<16xf32>,
          %get3A_368 = arith.constant 0 : i32
          %get3A_369 = arith.constant 0 : i32
          %get3A_370 = tpu.memref_slice %run_scoped3A[%rem3A_177, %get3A_368, %get3A_369] : memref<2x16x512xi32, #tpu.memory_space<vmem>> -> memref<1x16x512xi32, #tpu.memory_space<vmem>>
          %get3A_371 = tpu.memref_squeeze %get3A_370 : memref<1x16x512xi32, #tpu.memory_space<vmem>> -> memref<16x512xi32, #tpu.memory_space<vmem>>
          %get3A_372 = arith.index_cast %add3A_228 : i32 to index
          %get3A_373 = arith.constant 320 : index
          %get3A_374 = tpu.vector_load %get3A_371[%get3A_372, %get3A_373] {strides = array<i32>} : memref<16x512xi32, #tpu.memory_space<vmem>>, vector<16xi32>,
          tpu.vector_store_idx %arg4[%get3A_374], %broadcast_in_dim3A_4 {add = true} : memref<32xf32, #tpu.memory_space<vmem>>[vector<16xi32>], vector<16xf32>,
          %get3A_375 = arith.constant 0 : i32
          %get3A_376 = arith.constant 0 : i32
          %get3A_377 = tpu.memref_slice %run_scoped3A[%rem3A_177, %get3A_375, %get3A_376] : memref<2x16x512xi32, #tpu.memory_space<vmem>> -> memref<1x16x512xi32, #tpu.memory_space<vmem>>
          %get3A_378 = tpu.memref_squeeze %get3A_377 : memref<1x16x512xi32, #tpu.memory_space<vmem>> -> memref<16x512xi32, #tpu.memory_space<vmem>>
          %get3A_379 = arith.index_cast %add3A_228 : i32 to index
          %get3A_380 = arith.constant 336 : index
          %get3A_381 = tpu.vector_load %get3A_378[%get3A_379, %get3A_380] {strides = array<i32>} : memref<16x512xi32, #tpu.memory_space<vmem>>, vector<16xi32>,
          tpu.vector_store_idx %arg4[%get3A_381], %broadcast_in_dim3A_4 {add = true} : memref<32xf32, #tpu.memory_space<vmem>>[vector<16xi32>], vector<16xf32>,
          %get3A_382 = arith.constant 0 : i32
          %get3A_383 = arith.constant 0 : i32
          %get3A_384 = tpu.memref_slice %run_scoped3A[%rem3A_177, %get3A_382, %get3A_383] : memref<2x16x512xi32, #tpu.memory_space<vmem>> -> memref<1x16x512xi32, #tpu.memory_space<vmem>>
          %get3A_385 = tpu.memref_squeeze %get3A_384 : memref<1x16x512xi32, #tpu.memory_space<vmem>> -> memref<16x512xi32, #tpu.memory_space<vmem>>
          %get3A_386 = arith.index_cast %add3A_228 : i32 to index
          %get3A_387 = arith.constant 352 : index
          %get3A_388 = tpu.vector_load %get3A_385[%get3A_386, %get3A_387] {strides = array<i32>} : memref<16x512xi32, #tpu.memory_space<vmem>>, vector<16xi32>,
          tpu.vector_store_idx %arg4[%get3A_388], %broadcast_in_dim3A_4 {add = true} : memref<32xf32, #tpu.memory_space<vmem>>[vector<16xi32>], vector<16xf32>,
          %get3A_389 = arith.constant 0 : i32
          %get3A_390 = arith.constant 0 : i32
          %get3A_391 = tpu.memref_slice %run_scoped3A[%rem3A_177, %get3A_389, %get3A_390] : memref<2x16x512xi32, #tpu.memory_space<vmem>> -> memref<1x16x512xi32, #tpu.memory_space<vmem>>
          %get3A_392 = tpu.memref_squeeze %get3A_391 : memref<1x16x512xi32, #tpu.memory_space<vmem>> -> memref<16x512xi32, #tpu.memory_space<vmem>>
          %get3A_393 = arith.index_cast %add3A_228 : i32 to index
          %get3A_394 = arith.constant 368 : index
          %get3A_395 = tpu.vector_load %get3A_392[%get3A_393, %get3A_394] {strides = array<i32>} : memref<16x512xi32, #tpu.memory_space<vmem>>, vector<16xi32>,
          tpu.vector_store_idx %arg4[%get3A_395], %broadcast_in_dim3A_4 {add = true} : memref<32xf32, #tpu.memory_space<vmem>>[vector<16xi32>], vector<16xf32>,
          %get3A_396 = arith.constant 0 : i32
          %get3A_397 = arith.constant 0 : i32
          %get3A_398 = tpu.memref_slice %run_scoped3A[%rem3A_177, %get3A_396, %get3A_397] : memref<2x16x512xi32, #tpu.memory_space<vmem>> -> memref<1x16x512xi32, #tpu.memory_space<vmem>>
          %get3A_399 = tpu.memref_squeeze %get3A_398 : memref<1x16x512xi32, #tpu.memory_space<vmem>> -> memref<16x512xi32, #tpu.memory_space<vmem>>
          %get3A_400 = arith.index_cast %add3A_228 : i32 to index
          %get3A_401 = arith.constant 384 : index
          %get3A_402 = tpu.vector_load %get3A_399[%get3A_400, %get3A_401] {strides = array<i32>} : memref<16x512xi32, #tpu.memory_space<vmem>>, vector<16xi32>,
          tpu.vector_store_idx %arg4[%get3A_402], %broadcast_in_dim3A_4 {add = true} : memref<32xf32, #tpu.memory_space<vmem>>[vector<16xi32>], vector<16xf32>,
          %get3A_403 = arith.constant 0 : i32
          %get3A_404 = arith.constant 0 : i32
          %get3A_405 = tpu.memref_slice %run_scoped3A[%rem3A_177, %get3A_403, %get3A_404] : memref<2x16x512xi32, #tpu.memory_space<vmem>> -> memref<1x16x512xi32, #tpu.memory_space<vmem>>
          %get3A_406 = tpu.memref_squeeze %get3A_405 : memref<1x16x512xi32, #tpu.memory_space<vmem>> -> memref<16x512xi32, #tpu.memory_space<vmem>>
          %get3A_407 = arith.index_cast %add3A_228 : i32 to index
          %get3A_408 = arith.constant 400 : index
          %get3A_409 = tpu.vector_load %get3A_406[%get3A_407, %get3A_408] {strides = array<i32>} : memref<16x512xi32, #tpu.memory_space<vmem>>, vector<16xi32>,
          tpu.vector_store_idx %arg4[%get3A_409], %broadcast_in_dim3A_4 {add = true} : memref<32xf32, #tpu.memory_space<vmem>>[vector<16xi32>], vector<16xf32>,
          %get3A_410 = arith.constant 0 : i32
          %get3A_411 = arith.constant 0 : i32
          %get3A_412 = tpu.memref_slice %run_scoped3A[%rem3A_177, %get3A_410, %get3A_411] : memref<2x16x512xi32, #tpu.memory_space<vmem>> -> memref<1x16x512xi32, #tpu.memory_space<vmem>>
          %get3A_413 = tpu.memref_squeeze %get3A_412 : memref<1x16x512xi32, #tpu.memory_space<vmem>> -> memref<16x512xi32, #tpu.memory_space<vmem>>
          %get3A_414 = arith.index_cast %add3A_228 : i32 to index
          %get3A_415 = arith.constant 416 : index
          %get3A_416 = tpu.vector_load %get3A_413[%get3A_414, %get3A_415] {strides = array<i32>} : memref<16x512xi32, #tpu.memory_space<vmem>>, vector<16xi32>,
          tpu.vector_store_idx %arg4[%get3A_416], %broadcast_in_dim3A_4 {add = true} : memref<32xf32, #tpu.memory_space<vmem>>[vector<16xi32>], vector<16xf32>,
          %get3A_417 = arith.constant 0 : i32
          %get3A_418 = arith.constant 0 : i32
          %get3A_419 = tpu.memref_slice %run_scoped3A[%rem3A_177, %get3A_417, %get3A_418] : memref<2x16x512xi32, #tpu.memory_space<vmem>> -> memref<1x16x512xi32, #tpu.memory_space<vmem>>
          %get3A_420 = tpu.memref_squeeze %get3A_419 : memref<1x16x512xi32, #tpu.memory_space<vmem>> -> memref<16x512xi32, #tpu.memory_space<vmem>>
          %get3A_421 = arith.index_cast %add3A_228 : i32 to index
          %get3A_422 = arith.constant 432 : index
          %get3A_423 = tpu.vector_load %get3A_420[%get3A_421, %get3A_422] {strides = array<i32>} : memref<16x512xi32, #tpu.memory_space<vmem>>, vector<16xi32>,
          tpu.vector_store_idx %arg4[%get3A_423], %broadcast_in_dim3A_4 {add = true} : memref<32xf32, #tpu.memory_space<vmem>>[vector<16xi32>], vector<16xf32>,
          %get3A_424 = arith.constant 0 : i32
          %get3A_425 = arith.constant 0 : i32
          %get3A_426 = tpu.memref_slice %run_scoped3A[%rem3A_177, %get3A_424, %get3A_425] : memref<2x16x512xi32, #tpu.memory_space<vmem>> -> memref<1x16x512xi32, #tpu.memory_space<vmem>>
          %get3A_427 = tpu.memref_squeeze %get3A_426 : memref<1x16x512xi32, #tpu.memory_space<vmem>> -> memref<16x512xi32, #tpu.memory_space<vmem>>
          %get3A_428 = arith.index_cast %add3A_228 : i32 to index
          %get3A_429 = arith.constant 448 : index
          %get3A_430 = tpu.vector_load %get3A_427[%get3A_428, %get3A_429] {strides = array<i32>} : memref<16x512xi32, #tpu.memory_space<vmem>>, vector<16xi32>,
          tpu.vector_store_idx %arg4[%get3A_430], %broadcast_in_dim3A_4 {add = true} : memref<32xf32, #tpu.memory_space<vmem>>[vector<16xi32>], vector<16xf32>,
          %get3A_431 = arith.constant 0 : i32
          %get3A_432 = arith.constant 0 : i32
          %get3A_433 = tpu.memref_slice %run_scoped3A[%rem3A_177, %get3A_431, %get3A_432] : memref<2x16x512xi32, #tpu.memory_space<vmem>> -> memref<1x16x512xi32, #tpu.memory_space<vmem>>
          %get3A_434 = tpu.memref_squeeze %get3A_433 : memref<1x16x512xi32, #tpu.memory_space<vmem>> -> memref<16x512xi32, #tpu.memory_space<vmem>>
          %get3A_435 = arith.index_cast %add3A_228 : i32 to index
          %get3A_436 = arith.constant 464 : index
          %get3A_437 = tpu.vector_load %get3A_434[%get3A_435, %get3A_436] {strides = array<i32>} : memref<16x512xi32, #tpu.memory_space<vmem>>, vector<16xi32>,
          tpu.vector_store_idx %arg4[%get3A_437], %broadcast_in_dim3A_4 {add = true} : memref<32xf32, #tpu.memory_space<vmem>>[vector<16xi32>], vector<16xf32>,
          %get3A_438 = arith.constant 0 : i32
          %get3A_439 = arith.constant 0 : i32
          %get3A_440 = tpu.memref_slice %run_scoped3A[%rem3A_177, %get3A_438, %get3A_439] : memref<2x16x512xi32, #tpu.memory_space<vmem>> -> memref<1x16x512xi32, #tpu.memory_space<vmem>>
          %get3A_441 = tpu.memref_squeeze %get3A_440 : memref<1x16x512xi32, #tpu.memory_space<vmem>> -> memref<16x512xi32, #tpu.memory_space<vmem>>
          %get3A_442 = arith.index_cast %add3A_228 : i32 to index
          %get3A_443 = arith.constant 480 : index
          %get3A_444 = tpu.vector_load %get3A_441[%get3A_442, %get3A_443] {strides = array<i32>} : memref<16x512xi32, #tpu.memory_space<vmem>>, vector<16xi32>,
          tpu.vector_store_idx %arg4[%get3A_444], %broadcast_in_dim3A_4 {add = true} : memref<32xf32, #tpu.memory_space<vmem>>[vector<16xi32>], vector<16xf32>,
          %get3A_445 = arith.constant 0 : i32
          %get3A_446 = arith.constant 0 : i32
          %get3A_447 = tpu.memref_slice %run_scoped3A[%rem3A_177, %get3A_445, %get3A_446] : memref<2x16x512xi32, #tpu.memory_space<vmem>> -> memref<1x16x512xi32, #tpu.memory_space<vmem>>
          %get3A_448 = tpu.memref_squeeze %get3A_447 : memref<1x16x512xi32, #tpu.memory_space<vmem>> -> memref<16x512xi32, #tpu.memory_space<vmem>>
          %get3A_449 = arith.index_cast %add3A_228 : i32 to index
          %get3A_450 = arith.constant 496 : index
          %get3A_451 = tpu.vector_load %get3A_448[%get3A_449, %get3A_450] {strides = array<i32>} : memref<16x512xi32, #tpu.memory_space<vmem>>, vector<16xi32>,
          tpu.vector_store_idx %arg4[%get3A_451], %broadcast_in_dim3A_4 {add = true} : memref<32xf32, #tpu.memory_space<vmem>>[vector<16xi32>], vector<16xf32>,
        }
        %scan3A_182 = arith.constant 16 : i32
        "tpu.trace_stop"() : () -> ()
        %ne3A_183 = arith.cmpi ne, %add3A_128, %add3A_146 : i32
        %or3A_184 = arith.constant false
        %or3A_185 = arith.ori %or3A_184, %ne3A_183 : i1
        %or3A_186 = arith.constant false
        %or3A_187 = arith.ori %or3A_185, %or3A_186 : i1
        %or3A_188 = arith.ori %or3A_187, %eq3A_127 : i1
        %convert_element_type3A_189 = arith.extui %or3A_188 : i1 to i32
        %cond3A_190 = arith.constant 0 : i32
        %cond3A_191 = arith.cmpi ne, %convert_element_type3A_189, %cond3A_190 : i32
        scf.if %cond3A_191 {
        } else {
        }
        %and3A_192 = arith.constant false
        %and3A_193 = arith.andi %or3A_188, %and3A_192 : i1
        %ne3A_194 = arith.cmpi ne, %add3A_128, %add3A_137 : i32
        %or3A_195 = arith.constant false
        %or3A_196 = arith.ori %or3A_195, %ne3A_194 : i1
        %or3A_197 = arith.constant false
        %or3A_198 = arith.ori %or3A_196, %or3A_197 : i1
        %not3A_199 = arith.constant true
        %not3A_200 = arith.xori %eq3A_125, %not3A_199 : i1
        %and3A_201 = arith.andi %or3A_198, %not3A_200 : i1
        %convert_element_type3A_202 = arith.extui %and3A_201 : i1 to i32
        %cond3A_203 = arith.constant 0 : i32
        %cond3A_204 = arith.cmpi ne, %convert_element_type3A_202, %cond3A_203 : i32
        scf.if %cond3A_204 {
        } else {
        }
        %and3A_205 = arith.constant false
        %and3A_206 = arith.andi %and3A_201, %and3A_205 : i1
        %ne3A_207 = arith.cmpi ne, %add3A_128, %add3A_146 : i32
        %or3A_208 = arith.constant false
        %or3A_209 = arith.ori %or3A_208, %ne3A_207 : i1
        %or3A_210 = arith.constant false
        %or3A_211 = arith.ori %or3A_209, %or3A_210 : i1
        %or3A_212 = arith.ori %or3A_211, %eq3A_127 : i1
        %add3A_213 = arith.constant 1 : i32
        %add3A_214 = arith.addi %scan3A_122, %add3A_213 : i32
        %select_n3A_215 = arith.select %or3A_212, %add3A_214, %scan3A_122 : i32
        %add3A_216 = arith.constant 1 : i32
        %add3A_217 = arith.addi %scan3A_123, %add3A_216 : i32
        %select_n3A_218 = arith.constant true
        %select_n3A_219 = arith.select %select_n3A_218, %add3A_217, %scan3A_123 : i32
        %eq3A_220 = arith.constant 8 : i32
        %eq3A_221 = arith.cmpi eq, %select_n3A_219, %eq3A_220 : i32
        %select_n3A_222 = arith.constant 0 : i32
        %select_n3A_223 = arith.select %eq3A_221, %select_n3A_222, %select_n3A_219 : i32
        scf.yield %select_n3A_166, %select_n3A_215, %select_n3A_223 : i32, i32, i32
      }
      %scan3A_84 = arith.constant 8 : i32
      %sub3A = arith.constant 1 : i32
      %sub3A_85 = arith.subi %scan3A_83#2, %sub3A : i32
      %select_n3A_86 = arith.constant true
      %select_n3A_87 = arith.select %select_n3A_86, %sub3A_85, %scan3A_83#2 : i32
      %eq3A_88 = arith.constant -1 : i32
      %eq3A_89 = arith.cmpi eq, %select_n3A_87, %eq3A_88 : i32
      %select_n3A_90 = arith.constant 7 : i32
      %select_n3A_91 = arith.select %eq3A_89, %select_n3A_90, %select_n3A_87 : i32
      %add3A_92 = arith.addi %select_n3A_91, %mul3A_11 : i32
      %sub3A_93 = arith.constant 1 : i32
      %sub3A_94 = arith.subi %select_n3A_91, %sub3A_93 : i32
      %select_n3A_95 = arith.constant true
      %select_n3A_96 = arith.select %select_n3A_95, %sub3A_94, %select_n3A_91 : i32
      %eq3A_97 = arith.constant -1 : i32
      %eq3A_98 = arith.cmpi eq, %select_n3A_96, %eq3A_97 : i32
      %select_n3A_99 = arith.constant 7 : i32
      %select_n3A_100 = arith.select %eq3A_98, %select_n3A_99, %select_n3A_96 : i32
      %add3A_101 = arith.addi %select_n3A_100, %mul3A_11 : i32
      %add3A_102 = arith.constant 1 : i32
      %add3A_103 = arith.addi %select_n3A_91, %add3A_102 : i32
      %select_n3A_104 = arith.constant true
      %select_n3A_105 = arith.select %select_n3A_104, %add3A_103, %select_n3A_91 : i32
      %eq3A_106 = arith.constant 8 : i32
      %eq3A_107 = arith.cmpi eq, %select_n3A_105, %eq3A_106 : i32
      %select_n3A_108 = arith.constant 0 : i32
      %select_n3A_109 = arith.select %eq3A_107, %select_n3A_108, %select_n3A_105 : i32
      %add3A_110 = arith.addi %select_n3A_109, %mul3A_11 : i32
      %add3A_111 = arith.constant 1 : i32
      %add3A_112 = arith.addi %select_n3A_109, %add3A_111 : i32
      %select_n3A_113 = arith.constant true
      %select_n3A_114 = arith.select %select_n3A_113, %add3A_112, %select_n3A_109 : i32
      %eq3A_115 = arith.constant 8 : i32
      %eq3A_116 = arith.cmpi eq, %select_n3A_114, %eq3A_115 : i32
      %select_n3A_117 = arith.constant 0 : i32
      %select_n3A_118 = arith.select %eq3A_116, %select_n3A_117, %select_n3A_114 : i32
      %add3A_119 = arith.addi %select_n3A_118, %mul3A_11 : i32
      tpu.yield
    }) : () -> ()
    %mul3A_12 = arith.constant 16 : i32
    %mul3A_13 = arith.muli %arg0, %mul3A_12 : i32
    %add3A_14 = arith.addi %mul3A_13, %arg1 : i32
    %dma_start3A = arith.constant 0 : i32
    %dma_start3A_15 = tpu.memref_slice %arg3[%add3A_14, %dma_start3A] : memref<32x32xf32, #tpu.memory_space<hbm>> -> memref<1x32xf32, #tpu.memory_space<hbm>>
    %dma_start3A_16 = tpu.memref_squeeze %dma_start3A_15 : memref<1x32xf32, #tpu.memory_space<hbm>> -> memref<32xf32, #tpu.memory_space<hbm>>
    %dma_start3A_17 = arith.constant 0 : i32
    %dma_start3A_18 = tpu.memref_slice %arg3[%add3A_14, %dma_start3A_17] : memref<32x32xf32, #tpu.memory_space<hbm>> -> memref<1x32xf32, #tpu.memory_space<hbm>>
    %dma_start3A_19 = tpu.memref_squeeze %dma_start3A_18 : memref<1x32xf32, #tpu.memory_space<hbm>> -> memref<32xf32, #tpu.memory_space<hbm>>
    tpu.enqueue_dma source(%arg4 : memref<32xf32, #tpu.memory_space<vmem>>) target(%dma_start3A_19 : memref<32xf32, #tpu.memory_space<hbm>>) target_semaphore(%arg5 : memref<!tpu.dma_semaphore, #tpu.memory_space<semaphore_mem>>)
    %dma_wait3A = arith.constant 0 : i32
    %dma_wait3A_20 = tpu.memref_slice %arg3[%add3A_14, %dma_wait3A] : memref<32x32xf32, #tpu.memory_space<hbm>> -> memref<1x32xf32, #tpu.memory_space<hbm>>
    %dma_wait3A_21 = tpu.memref_squeeze %dma_wait3A_20 : memref<1x32xf32, #tpu.memory_space<hbm>> -> memref<32xf32, #tpu.memory_space<hbm>>
    %dma_wait3A_22 = arith.constant 0 : i32
    %dma_wait3A_23 = tpu.memref_slice %arg3[%add3A_14, %dma_wait3A_22] : memref<32x32xf32, #tpu.memory_space<hbm>> -> memref<1x32xf32, #tpu.memory_space<hbm>>
    %dma_wait3A_24 = tpu.memref_squeeze %dma_wait3A_23 : memref<1x32xf32, #tpu.memory_space<hbm>> -> memref<32xf32, #tpu.memory_space<hbm>>
    tpu.wait_dma2 semaphore(%arg5 : memref<!tpu.dma_semaphore, #tpu.memory_space<semaphore_mem>>) src(%arg4 : memref<32xf32, #tpu.memory_space<vmem>>) dst(%dma_wait3A_24 : memref<32xf32, #tpu.memory_space<hbm>>)
    return
  }
}

module attributes {stable_mosaic.version = 14 : i64} {
  func.func @_stats_body(%arg0: i32, %arg1: i32, %arg2: memref<1x19x128x512xf32, #tpu.memory_space<vmem>>, %arg3: memref<1x128x512xi32, #tpu.memory_space<vmem>>, %arg4: memref<1x1x19xf32, #tpu.memory_space<vmem>>) attributes {dimension_semantics = [#tpu.dimension_semantics<parallel>, #tpu.dimension_semantics<arbitrary>], iteration_bounds = array<i64: 8, 4>, scalar_prefetch = 0 : i64, scratch_operands = 0 : i64, tpu.core_type = #tpu.core_type<tc>, window_params = [{transform_indices = @transform_0, window_bounds = array<i64: 1, 19, 128, 512>}, {transform_indices = @transform_1, window_bounds = array<i64: 1, 128, 512>}, {transform_indices = @transform_2, window_bounds = array<i64: 1, 1, 19>}]} {
    %get3A = arith.constant 0 : index
    %get3A_0 = arith.constant 0 : index
    %get3A_1 = arith.constant 0 : index
    %get3A_2 = arith.constant 0 : index
    %get3A_3 = vector.load %arg2[%get3A, %get3A_0, %get3A_1, %get3A_2] : memref<1x19x128x512xf32, #tpu.memory_space<vmem>>, vector<1x19x128x512xf32>
    %get3A_4 = vector.shape_cast %get3A_3 : vector<1x19x128x512xf32> to vector<19x128x512xf32>
    %get3A_5 = arith.constant 0 : index
    %get3A_6 = arith.constant 0 : index
    %get3A_7 = arith.constant 0 : index
    %get3A_8 = vector.load %arg3[%get3A_5, %get3A_6, %get3A_7] : memref<1x128x512xi32, #tpu.memory_space<vmem>>, vector<1x128x512xi32>
    %get3A_9 = vector.shape_cast %get3A_8 : vector<1x128x512xi32> to vector<128x512xi32>
    %iota3A = tpu.iota {dimensions = array<i32: 0>} : vector<19x1x1xi32>
    %broadcast_in_dim3A = vector.shape_cast %get3A_9 : vector<128x512xi32> to vector<1x128x512xi32>
    %eq3A = vector.broadcast %iota3A : vector<19x1x1xi32> to vector<19x128x512xi32>
    %eq3A_10 = vector.broadcast %broadcast_in_dim3A : vector<1x128x512xi32> to vector<19x128x512xi32>
    %eq3A_11 = arith.cmpi eq, %eq3A, %eq3A_10 : vector<19x128x512xi32>
    %exp3A = math.exp %get3A_4 : vector<19x128x512xf32>
    %reduce_sum3A = arith.constant dense<0.000000e+00> : vector<128x512xf32>
    %reduce_sum3A_12 = vector.multi_reduction <add>, %exp3A, %reduce_sum3A [0] : vector<19x128x512xf32> to vector<128x512xf32>
    %jit3A = arith.constant 0.000000e+00 : f32
    %broadcast_in_dim3A_13 = vector.broadcast %jit3A : f32 to vector<19x128x512xf32>
    %select_n3A = arith.select %eq3A_11, %get3A_4, %broadcast_in_dim3A_13 : vector<19x128x512xi1>, vector<19x128x512xf32>
    %reduce_sum3A_14 = arith.constant dense<0.000000e+00> : vector<128x512xf32>
    %reduce_sum3A_15 = vector.multi_reduction <add>, %select_n3A, %reduce_sum3A_14 [0] : vector<19x128x512xf32> to vector<128x512xf32>
    %log3A = math.log %reduce_sum3A_12 : vector<128x512xf32>
    %sub3A = arith.subf %log3A, %reduce_sum3A_15 : vector<128x512xf32>
    %broadcast_in_dim3A_16 = vector.shape_cast %sub3A : vector<128x512xf32> to vector<1x128x512xf32>
    %jit3A_17 = arith.constant 0.000000e+00 : f32
    %broadcast_in_dim3A_18 = vector.shape_cast %broadcast_in_dim3A_16 : vector<1x128x512xf32> to vector<1x128x512xf32>
    %broadcast_in_dim3A_19 = vector.broadcast %broadcast_in_dim3A_18 : vector<1x128x512xf32> to vector<19x128x512xf32>
    %broadcast_in_dim3A_20 = vector.broadcast %jit3A_17 : f32 to vector<19x128x512xf32>
    %select_n3A_21 = arith.select %eq3A_11, %broadcast_in_dim3A_19, %broadcast_in_dim3A_20 : vector<19x128x512xi1>, vector<19x128x512xf32>
    %reduce_sum3A_22 = arith.constant dense<0.000000e+00> : vector<19xf32>
    %reduce_sum3A_23 = vector.multi_reduction <add>, %select_n3A_21, %reduce_sum3A_22 [1, 2] : vector<19x128x512xf32> to vector<19xf32>
    %broadcast_in_dim3A_24 = vector.shape_cast %reduce_sum3A_23 : vector<19xf32> to vector<1x19xf32>
    %eq3A_25 = arith.constant 0 : i32
    %eq3A_26 = arith.cmpi eq, %arg1, %eq3A_25 : i32
    %convert_element_type3A = arith.extui %eq3A_26 : i1 to i32
    %cond3A = arith.constant 0 : i32
    %cond3A_27 = arith.cmpi ne, %convert_element_type3A, %cond3A : i32
    scf.if %cond3A_27 {
      %swap3A = arith.constant 0 : index
      %swap3A_32 = arith.constant 0 : index
      %swap3A_33 = arith.constant 0 : index
      %swap3A_34 = vector.load %arg4[%swap3A, %swap3A_32, %swap3A_33] : memref<1x1x19xf32, #tpu.memory_space<vmem>>, vector<1x1x19xf32>
      %swap3A_35 = vector.shape_cast %swap3A_34 : vector<1x1x19xf32> to vector<1x19xf32>
      %swap3A_36 = vector.shape_cast %broadcast_in_dim3A_24 : vector<1x19xf32> to vector<1x1x19xf32>
      tpu.vector_store %arg4[%swap3A, %swap3A_32, %swap3A_33], %swap3A_36 {strides = array<i32>} : memref<1x1x19xf32, #tpu.memory_space<vmem>>, vector<1x1x19xf32>,
    } else {
    }
    %ne3A = arith.constant 0 : i32
    %ne3A_28 = arith.cmpi ne, %arg1, %ne3A : i32
    %convert_element_type3A_29 = arith.extui %ne3A_28 : i1 to i32
    %cond3A_30 = arith.constant 0 : i32
    %cond3A_31 = arith.cmpi ne, %convert_element_type3A_29, %cond3A_30 : i32
    scf.if %cond3A_31 {
      %get3A_32 = arith.constant 0 : index
      %get3A_33 = arith.constant 0 : index
      %get3A_34 = arith.constant 0 : index
      %get3A_35 = vector.load %arg4[%get3A_32, %get3A_33, %get3A_34] : memref<1x1x19xf32, #tpu.memory_space<vmem>>, vector<1x1x19xf32>
      %get3A_36 = vector.shape_cast %get3A_35 : vector<1x1x19xf32> to vector<1x19xf32>
      %add3A = arith.addf %get3A_36, %broadcast_in_dim3A_24 : vector<1x19xf32>
      %swap3A = arith.constant 0 : index
      %swap3A_37 = arith.constant 0 : index
      %swap3A_38 = arith.constant 0 : index
      %swap3A_39 = vector.load %arg4[%swap3A, %swap3A_37, %swap3A_38] : memref<1x1x19xf32, #tpu.memory_space<vmem>>, vector<1x1x19xf32>
      %swap3A_40 = vector.shape_cast %swap3A_39 : vector<1x1x19xf32> to vector<1x19xf32>
      %swap3A_41 = vector.shape_cast %add3A : vector<1x19xf32> to vector<1x1x19xf32>
      tpu.vector_store %arg4[%swap3A, %swap3A_37, %swap3A_38], %swap3A_41 {strides = array<i32>} : memref<1x1x19xf32, #tpu.memory_space<vmem>>, vector<1x1x19xf32>,
    } else {
    }
    return
  }
  func.func @transform_0(%arg0: i32, %arg1: i32) -> (i32, i32, i32, i32) {
    %c0_i32 = arith.constant 0 : i32
    %c0_i32_0 = arith.constant 0 : i32
    %c0_i32_1 = arith.constant 0 : i32
    return %arg0, %c0_i32, %arg1, %c0_i32_0 : i32, i32, i32, i32
  }
  func.func @transform_1(%arg0: i32, %arg1: i32) -> (i32, i32, i32) {
    %c0_i32 = arith.constant 0 : i32
    %c0_i32_0 = arith.constant 0 : i32
    return %arg0, %arg1, %c0_i32 : i32, i32, i32
  }
  func.func @transform_2(%arg0: i32, %arg1: i32) -> (i32, i32, i32) {
    %c0_i32 = arith.constant 0 : i32
    %c0_i32_0 = arith.constant 0 : i32
    %c0_i32_1 = arith.constant 0 : i32
    return %arg0, %c0_i32, %c0_i32_0 : i32, i32, i32
  }
}

module attributes {stable_mosaic.version = 14 : i64} {
  func.func @_combine_body(%arg0: memref<8x1x19xf32, #tpu.memory_space<vmem>>, %arg1: memref<32x32xf32, #tpu.memory_space<vmem>>, %arg2: memref<1x1xf32, #tpu.memory_space<smem>>) attributes {dimension_semantics = [], scalar_prefetch = 0 : i64, scratch_operands = 0 : i64, tpu.core_type = #tpu.core_type<tc>} {
    %get3A = arith.constant 0 : index
    %get3A_0 = arith.constant 0 : index
    %get3A_1 = arith.constant 0 : index
    %get3A_2 = vector.load %arg0[%get3A, %get3A_0, %get3A_1] : memref<8x1x19xf32, #tpu.memory_space<vmem>>, vector<8x1x19xf32>
    %squeeze3A = vector.shape_cast %get3A_2 : vector<8x1x19xf32> to vector<8x19xf32>
    %reduce_sum3A = arith.constant dense<0.000000e+00> : vector<19xf32>
    %reduce_sum3A_3 = vector.multi_reduction <add>, %squeeze3A, %reduce_sum3A [0] : vector<8x19xf32> to vector<19xf32>
    %get3A_4 = arith.constant 0 : index
    %get3A_5 = arith.constant 0 : index
    %get3A_6 = vector.load %arg1[%get3A_4, %get3A_5] : memref<32x32xf32, #tpu.memory_space<vmem>>, vector<32x32xf32>
    %reduce_sum3A_7 = arith.constant dense<0.000000e+00> : vector<32xf32>
    %reduce_sum3A_8 = vector.multi_reduction <add>, %get3A_6, %reduce_sum3A_7 [0] : vector<32x32xf32> to vector<32xf32>
    %slice3A = vector.extract_strided_slice %reduce_sum3A_8 {offsets = [0], sizes = [19], strides = [1]} : vector<32xf32> to vector<19xf32>
    %mul3A = arith.mulf %reduce_sum3A_3, %slice3A : vector<19xf32>
    %reduce_sum3A_9 = vector.shape_cast %mul3A : vector<19xf32> to vector<1x19xf32>
    %reduce_sum3A_10 = arith.constant dense<0.000000e+00> : vector<1xf32>
    %reduce_sum3A_11 = vector.multi_reduction <add>, %reduce_sum3A_9, %reduce_sum3A_10 [1] : vector<1x19xf32> to vector<1xf32>
    %reduce_sum3A_12 = vector.shape_cast %reduce_sum3A_11 : vector<1xf32> to vector<1x1xf32>
    %reduce_sum3A_13 = vector.extract %reduce_sum3A_12[0, 0] : f32 from vector<1x1xf32>
    %mul3A_14 = arith.mulf %slice3A, %slice3A : vector<19xf32>
    %reduce_sum3A_15 = vector.shape_cast %mul3A_14 : vector<19xf32> to vector<1x19xf32>
    %reduce_sum3A_16 = arith.constant dense<0.000000e+00> : vector<1xf32>
    %reduce_sum3A_17 = vector.multi_reduction <add>, %reduce_sum3A_15, %reduce_sum3A_16 [1] : vector<1x19xf32> to vector<1xf32>
    %reduce_sum3A_18 = vector.shape_cast %reduce_sum3A_17 : vector<1xf32> to vector<1x1xf32>
    %reduce_sum3A_19 = vector.extract %reduce_sum3A_18[0, 0] : f32 from vector<1x1xf32>
    %div3A = arith.divf %reduce_sum3A_13, %reduce_sum3A_19 : f32
    %swap3A = arith.constant 0 : index
    %swap3A_20 = arith.constant 0 : index
    %swap3A_21 = memref.load %arg2[%swap3A, %swap3A_20] : memref<1x1xf32, #tpu.memory_space<smem>>
    memref.store %div3A, %arg2[%swap3A, %swap3A_20] : memref<1x1xf32, #tpu.memory_space<smem>>
    return
  }
}

</mosaic_0001>

<sc_bundles>
// kernel: kernel.5.cloned.1.call-start
scs
__scs_entry_jumppad:
0x0: {  	(pc) =	sbr.rel $0x88, $3  }
0x1: {  	(tag) =	ssettag $0x0;
	lr =	simm.s32 $0x1  }
0x2: {  	[smem:$0x3F9F] =	sst lr;
	_ =	strace $0xD0000000  }
0x3: {  	_ = 	snop  }
0x4: {  	_ = 	snop  }
0x5: {  	_ = 	snop  }
0x6: {  	_ = 	snop  }
0x7: {  	_ = 	snop  }
__scs_overlays_trampoline_lowered:
0x8: {  	[smem:$0x3FAE] =	sst s0  }
0x9: {  	[smem:$0x3FAF] =	sst s1  }
0xa: {  	[smem:$0x3FB0] =	sst s2  }
0xb: {  	[smem:$0x3FB1] =	sst s3  }
0xc: {  	[smem:$0x3FB2] =	sst s4  }
0xd: {  	[smem:$0x3FB3] =	sst s5  }
0xe: {  	[smem:$0x3FB4] =	sst s6  }
0xf: {  	[smem:$0x3FB5] =	sst s7  }
0x10: {  	[smem:$0x3FB6] =	sst s8  }
0x11: {  	[smem:$0x3FB7] =	sst s9;
	s0 =	simm.s32 @!p0 $0x0  }
0x12: {  	s1 =	sld [smem:$0x3F9D];
	s0 =	simm.s32 @p0 $0x1  }
0x13: {  	[smem:$0x3FB8] =	sst s0;
	s0 =	simm.s32 @!p1 $0x0  }
0x14: {  	s2 =	sld [smem:$0x3F9C];
	s0 =	simm.s32 @p1 $0x1  }
0x15: {  	[smem:$0x3FB9] =	sst s0;
	s0 =	simm.s32 @!p2 $0x0  }
0x16: {  	s3 =	sld [smem:$0x3FDB];
	s0 =	simm.s32 @p2 $0x1  }
0x17: {  	s4 =	simm.s32 $0x1BF5;
	[smem:$0x3FBB] =	sst s0  }
0x18: {  	s0 =	sld [smem:$0x3F9E];
	_ =	swait.ge [sflag:s4], $0x0  }
0x19: {  	s7 =	sld [smem:$0x3F9F]  }
0x1a: {  	s8 =	sadd.s32 $0xFFFFE003, lr  }
0x1b: {  	s9 =	sadd.s32 $0xFFFFFEF7, lr;
	s5 =	simm.s32 $0xFFFFFFFF;
	p2 =	slt.u32 s8, $0xFFFFF086  }
0x1c: {  	p1 =	slt.u32 s9, $0xF7A;
	s5 =	simm.s32 @!p2 $0x0  }
0x1d: {  	s5 =	simm.s32 @p1 $0x1;
	p0 =	seq.s32 s7, s2  }
0x1e: {  	s7 =	smul.u32 @!p0 $0xF7A, s2;
	p2 =	seq.s32 @!p0 s5, $0x0  }
0x1f: {  	s9 =	smul.u32 $0xF7A, s1;
	s8 =	simm.s32 @!p0 $0x1BF5;
	p2 =	por !p2, p0  }
0x20: {  	[sflag:s8] =	ssyncset.s32 @!p0 $0xFFFFF086;
	s6 =	sadd.s32 @!p0 s3, s7;
	s7 =	simm.s32 @!p0 $0x108  }
0x21: {  	s3 =	sadd.s32 s3, s9;
	s6 =	sadd.s32 @!p0 $0x88, s6;
	s7 =	simm.s32 @p2 $0x1082  }
0x22: {  	[simem:s7], [sflag:s8] =	dma.local @!p0 [hbm:s6], $0xF7A  }
0x23: {  	s9 =	sor.u32 $0xD0000000, s2;
	s6 =	simm.s32 $0x108;
	_ =	swait.ge @!p0 [sflag:s8], $0x0  }
0x24: {  	s3 =	sadd.s32 $0x88, s3;
	s6 =	simm.s32 @!p1 $0x1082;
	[sflag:s4] =	ssyncset.s32 $0xFFFFF086  }
0x25: {  	[simem:s6], [sflag:s4] =	dma.local [hbm:s3], $0xF7A  }
0x26: {  	[smem:$0x3F9F] =	sst s1;
	(tag) =	ssettag s2;
	_ =	strace s9  }
0x27: {  	s1 =	sld [smem:$0x3FAF]  }
0x28: {  	s2 =	sld [smem:$0x3FB0]  }
0x29: {  	s4 =	sld [smem:$0x3FB2]  }
0x2a: {  	p0 =	seq.s32 s5, $0x0;
	s5 =	sld [smem:$0x3FB3]  }
0x2b: {  	s6 =	sld [smem:$0x3FB4]  }
0x2c: {  	s7 =	sld [smem:$0x3FB5]  }
0x2d: {  	s3 =	simm.s32 $0x108;
	s8 =	sld [smem:$0x3FB6]  }
0x2e: {  	s3 =	simm.s32 @!p0 $0x1082;
	s9 =	sld [smem:$0x3FB7]  }
0x2f: {  	lr =	sadd.s32 s0, s3;
	s0 =	sld [smem:$0x3FAE]  }
0x30: {  	s3 =	sld [smem:$0x3FB1]  }
0x31: {  	[smem:$0x3FBA] =	sst s10  }
0x32: {  	s10 =	sld [smem:$0x3FB8];
	_ =	sdelay $0x3  }
0x33: {  	p0 =	seq.s32 s10, $0x1;
	s10 =	sld [smem:$0x3FBA];
	_ =	sdelay $0x3  }
0x34: {  	[smem:$0x3FBA] =	sst s10  }
0x35: {  	s10 =	sld [smem:$0x3FB9];
	_ =	sdelay $0x3  }
0x36: {  	p1 =	seq.s32 s10, $0x1;
	s10 =	sld [smem:$0x3FBA];
	_ =	sdelay $0x3  }
0x37: {  	[smem:$0x3FBA] =	sst s10  }
0x38: {  	s10 =	sld [smem:$0x3FBB]  }
0x39: {  	_ = 	snop;
	(pc) =	sbr.ind lr, $3  }
0x3a: {  	_ = 	snop  }
0x3b: {  	_ = 	snop  }
0x3c: {  	p2 =	seq.s32 s10, $0x1;
	s10 =	sld [smem:$0x3FBA]  }
0x3d: {  	_ =	shalt  }
0x3e: {  	_ =	shalt  }
0x3f: {  	_ =	shalt  }
0x40: {  	_ =	shalt  }
0x41: {  	_ =	shalt  }
0x42: {  	_ =	shalt  }
0x43: {  	_ =	shalt  }
0x44: {  	_ =	shalt  }
0x45: {  	_ =	shalt  }
0x46: {  	_ =	shalt  }
0x47: {  	_ =	shalt  }
0x48: {  	_ =	shalt  }
0x49: {  	_ =	shalt  }
0x4a: {  	_ =	shalt  }
0x4b: {  	_ =	shalt  }
0x4c: {  	_ =	shalt  }
0x4d: {  	_ =	shalt  }
0x4e: {  	_ =	shalt  }
0x4f: {  	_ =	shalt  }
0x50: {  	_ =	shalt  }
0x51: {  	_ =	shalt  }
0x52: {  	_ =	shalt  }
0x53: {  	_ =	shalt  }
0x54: {  	_ =	shalt  }
0x55: {  	_ =	shalt  }
0x56: {  	_ =	shalt  }
0x57: {  	_ =	shalt  }
0x58: {  	_ =	shalt  }
0x59: {  	_ =	shalt  }
0x5a: {  	_ =	shalt  }
0x5b: {  	_ =	shalt  }
0x5c: {  	_ =	shalt  }
0x5d: {  	_ =	shalt  }
0x5e: {  	_ =	shalt  }
0x5f: {  	_ =	shalt  }
0x60: {  	_ =	shalt  }
0x61: {  	_ =	shalt  }
0x62: {  	_ =	shalt  }
0x63: {  	_ =	shalt  }
0x64: {  	_ =	shalt  }
0x65: {  	_ =	shalt  }
0x66: {  	_ =	shalt  }
0x67: {  	_ =	shalt  }
0x68: {  	_ =	shalt  }
0x69: {  	_ =	shalt  }
0x6a: {  	_ =	shalt  }
0x6b: {  	_ =	shalt  }
0x6c: {  	_ =	shalt  }
0x6d: {  	_ =	shalt  }
0x6e: {  	_ =	shalt  }
0x6f: {  	_ =	shalt  }
0x70: {  	_ =	shalt  }
0x71: {  	_ =	shalt  }
0x72: {  	_ =	shalt  }
0x73: {  	_ =	shalt  }
0x74: {  	_ =	shalt  }
0x75: {  	_ =	shalt  }
0x76: {  	_ =	shalt  }
0x77: {  	_ =	shalt  }
0x78: {  	_ =	shalt  }
0x79: {  	_ =	shalt  }
0x7a: {  	_ =	shalt  }
0x7b: {  	_ =	shalt  }
0x7c: {  	_ =	shalt  }
0x7d: {  	_ =	shalt  }
0x7e: {  	_ =	shalt  }
0x7f: {  	_ =	shalt  }
0x80: {  	_ =	shalt  }
0x81: {  	_ =	shalt  }
0x82: {  	_ =	shalt  }
0x83: {  	_ =	shalt  }
0x84: {  	_ =	shalt  }
0x85: {  	_ =	shalt  }
0x86: {  	_ =	shalt  }
0x87: {  	_ =	shalt  }
.Lfunc_end0:
.L_simem_size_0:
called_computation_lowered:
.L_overlay_start_0:
0x88: {  	s2 =	sld [smem:$0x3FD9]  }
0x89: {  	s3 =	sld [smem:$0x3FFE];
	_ =	sdelay $0x1  }
0x8a: {  	s1 =	srdreg.scid  }
0x8b: {  	s0 =	sand.u32 $0x1, s1  }
0x8c: {  	s17 =	sshll.u32 s0, $0xA;
	s2 =	sadd.s32 s3, s2  }
0x8d: {  	s2 =	sadd.s32 s2, s17  }
0x8e: {  	[smem:$0x3FC6] =	sst s2  }
0x8f: {  	_ = 	snop  }
0x90: {  	s2 =	sld [smem:$0x3FC8];
	(tm) =	ssettm $0x1  }
0x91: {  	s18 =	sld [smem:$0x3FFB];
	_ =	sdelay $0x3  }
0x92: {  	_ =	strace s18  }
0x93: {  	s3 =	sld [smem:$0x3FFC];
	_ =	sdelay $0x3  }
0x94: {  	_ =	strace s3  }
0x95: {  	s3 =	sld [smem:$0x3FFD];
	_ =	sdelay $0x3  }
0x96: {  	_ =	strace s3  }
0x97: {  	_ =	strace $0x8FFFFFFF  }
0x98: {  	s19 =	sld [smem:$0x3FDB];
	_ =	sdelay $0x1  }
0x99: {  	s4 =	simm.s32 $_scs_section_size  }
0x9a: {  	s5 =	simm.s32 $_size__tile_overlayer_lowered;
	s6 =	simm.s32 $_tile_overlayer_lowered  }
0x9b: {  	s22 =	simm.s32 $0x1BFF;
	s21 =	sshll.u32 s6, $0x1;
	s3 =	sadd.s32 s4, s19  }
0x9c: {  	s7 =	simm.s32 $0x0;
	s20 =	sshll.u32 s5, $0x1;
	s5 =	sadd.s32 s21, s3  }
0x9d: {  	[timem:s7], [sflag:s22] =	dma.local [hbm:s5], s20  }
0x9e: {  	_ =	swait.ge [sflag:s22], s20  }
0x9f: {  	s4 =	ssub.s32 $0x0, s20;
	[sflag:s22] =	ssyncset.done $0x0  }
0xa0: {  	[sflag:s22] =	ssyncadd.s32 s4;
	_ =	sdelay $0x1  }
0xa1: {  	s23 =	simm.s32 $0x1B8B  }
0xa2: {  	_ =	swait.ge [sflag:s23], $0x1  }
0xa3: {  	[sflag:s23] =	ssyncset.done $0x0  }
0xa4: {  	s25 =	simm.s32 $0x1B8E;
	s24 =	sld [smem:$0x3FFE];
	[sflag:s23] =	ssyncadd.s32 $0xFFFFFFFF  }
0xa5: {  	s26 =	simm.s32 $execute0_lowered;
	[smem:$0x3FD2] =	sst s25  }
0xa6: {  	s5 =	sshll.u32 s26, $0x1;
	_ =	strace $0x80000046;
	[dreg:$0x1] =	wrdreg $0xFFFFFFFF  }
0xa7: {  	s28 =	simm.s32 $_size_execute0_lowered;
	s3 =	sadd.s32 s3, s5;
	[dreg:$0x0] =	wrdreg $0x0  }
0xa8: {  	s5 =	sshll.u32 s28, $0x1;
	[dreg:$0x2] =	wrdreg s3  }
0xa9: {  	[dreg:$0x3] =	wrdreg s5  }
0xaa: {  	[dreg:$0x4] =	wrdreg $0xC0  }
0xab: {  	_ =	task [dreg:s7], $0x5FFFF  }
0xac: {  	[dreg:$0x1] =	wrdreg $0xFFFFFFFF  }
0xad: {  	[dreg:$0x0] =	wrdreg $0x60  }
0xae: {  	[dreg:$0x2] =	wrdreg s2  }
0xaf: {  	[dreg:$0x3] =	wrdreg s24  }
0xb0: {  	[dreg:$0x4] =	wrdreg $0x9  }
0xb1: {  	_ =	task.clear_ibuf [dreg:s7], $0x5FFFF;
	_ =	strace $0x90000046  }
0xb2: {  	s29 =	simm.s32 $0x9;
	_ =	strace $0x8000004C  }
0xb3: {  	_ =	swait.ge [sflag:s29], $0x1  }
0xb4: {  	[sflag:s29] =	ssyncadd.s32 $0xFFFFFFFF  }
0xb5: {  	_ =	strace $0x9000004C  }
0xb6: {  	_ =	sfence  }
0xb7: {  	s30 =	sld [smem:$0x0];
	_ =	sdelay $0x2  }
0xb8: {  	s31 =	sshll.u32 s1, $0xD;
	s1 =	sshrl.u32 s1, $0x2  }
0xb9: {  	s3 =	sand.u32 $0x4000, s31;
	s1 =	sadd.s32 s1, s30  }
0xba: {  	s0 =	sor.u32 s3, s0;
	s1 =	sshll.u32 s1, $0x11  }
0xbb: {  	s0 =	sor.u32 s1, s0  }
0xbc: {  	s0 =	sadd.s32 $0x8F2B, s0  }
0xbd: {  	[sflag:s0] =	ssyncadd.remote.s32 $0x1  }
0xbe: {  	_ =	sfence.sel $0xFFFF  }
0xbf: {  	[dreg:$0x0] =	wrdreg $0xFFFFFFFF;
	(pc) =	sbr.abs _section_cstart, $3  }
0xc0: {  	[dreg:$0x1] =	wrdreg $0xFFFFFFFF  }
0xc1: {  	_ =	task.clear_ibuf [dreg:s7], $0x2FFFF;
	_ =	strace $0x9FFFFFFF  }
0xc2: {  	(tm) =	ssettm $0x7FFFFFFF  }
0xc3: {  	_ =	shalt  }
tec
execute0_lowered:
.L_overlay_start_1:
0x0: {  	(tag) =	ssettag $0x1  }
0x1: {  	s1 =	rddreg [dreg:$0x0]  }
0x2: {  	s4 =	rddreg [dreg:$0x1];
	s2 =	srdreg.scid  }
0x3: {  	s0 =	rddreg [dreg:$0x2];
	s3 =	simm.s32 $0x0;
	s10 =	simm.s32 $0x0  }
0x4: {  	s5 =	sand.u32 $0x1, s2;
	[smem:$0x7FF] =	sst s3;
	s2 =	stileid.u32  }
0x5: {  	s6 =	sshll.u32 s5, $0x4;
	_ =	strace $0x80000047;
	s7 =	sshll.u32 s2, $0x4  }
0x6: {  	s5 =	ssub.s32 $0x2, s5;
	s6 =	sor.u32 s2, s6;
	s7 =	sand.u32 $0x70, s7  }
0x7: {  	s30 =	sshrl.u32 s5, $0x1;
	s8 =	sshll.u32 s6, $0x4;
	s7 =	sadd.s32 s7, s4  }
0x8: {  	s9 =	ssub.s32 s5, s30;
	s4 =	sshll.u32 s6, $0xD;
	s8 =	sand.u32 $0x180, s8  }
0x9: {  	s5 =	sadd.s32 s1, s4;
	s31 =	sadd.s32 s8, s7;
	s7 =	smax.u32 s9, $0x1  }
0xa: {  	v0 =	vimm.f32 $0.0e+00;
	v1 =	vimm.f32 $1.000000000e+00;
	s8 =	simm.s32 $0x80;
	s9 =	simm.s32 $0x1;
	s6 =	sadd.s32 $0x800, s31  }
.LBB2_1:
0xb: {  	[tilespmem:$0x0] =	vst v0  }
0xc: {  	[tilespmem:$0x10] =	vst v0  }
0xd: {  	s11 =	simm.s32 $0x0;
	s12 =	simm.s32 $0x0;
	_ =	strace $0x80000048  }
0xe: {  	[tilespmem:s8], [sflag:$0x2] =	stream.linear.gather [hbm4b:s5+s3], $0x2000, $0x200038;
	[tilespmem:$0x4080] =	vst v63  }
0xf: {  	s13 =	simm.s32 $0x1;
	s14 =	simm.s32 $0x0;
	_ =	strace $0x90000048  }
.LBB2_2:
0x10: {  	s15 =	smov.u32 s11;
	s11 =	sadd.s32 $0x1, s11  }
0x11: {  	p0 =	seq.s32 s11, $0x8  }
0x12: {  	s11 =	simm.s32 @p0 $0x0  }
0x13: {  	p6 =	sne.s32 s14, $0x7;
	p1 =	sne.s32 s15, s11  }
0x14: {  	p0 =	por !p6, !p1  }
0x15: {  	p0 =	por !p0, !p0  }
0x16: {  	s16 =	sshll.u32 @p0 s11, $0xA  }
0x17: {  	s15 =	sand.u32 @p0 $0x1, s13;
	_ =	strace @p0 $0x80000049;
	s16 =	sadd.s32 @p0 s4, s16  }
0x18: {  	s18 =	simm.s32 @p0 $0x0;
	s17 =	sshll.u32 @p0 s15, $0xD;
	s16 =	sand.u32 @p0 $0x1FFFFC00, s16  }
0x19: {  	s15 =	sor.u32 @p0 $0x2, s15;
	s17 =	sor.u32 @p0 $0x80, s17;
	s16 =	sadd.s32 @p0 s1, s16  }
0x1a: {  	[tilespmem:s17], [sflag:s15] =	stream.linear.gather @p0 [hbm4b:s16+s18], $0x2000, $0x200038;
	[tilespmem:$0x4080] =	vst v63  }
0x1b: {  	s30 =	sand.u32 $0x1, s12;
	_ =	strace @p0 $0x90000049  }
0x1c: {  	s15 =	sor.u32 $0x2, s30;
	_ =	strace $0x8000004A  }
0x1d: {  	_ =	swait.ge [sflag:s15], $0x2000  }
0x1e: {  	[sflag:s15] =	ssyncset.done $0x0  }
0x1f: {  	s31 =	sshll.u32 s12, $0xD;
	[sflag:s15] =	ssyncadd.s32 $0xFFFFE000  }
0x20: {  	s16 =	simm.s32 $0x0;
	s15 =	sand.u32 $0x2000, s31;
	_ =	strace $0x9000004A  }
0x21: {  	s17 =	simm.s32 $0x0;
	s15 =	sor.u32 $0x80, s15;
	_ =	strace $0x8000004B  }
.LBB2_3:
0x22: {  	s18 =	sand.u32 $0x1000, s17  }
0x23: {  	s19 =	sand.u32 $0x380, s16;
	s18 =	sadd.s32 s18, s15  }
0x24: {  	s18 =	sadd.s32 s19, s18  }
0x25: {  	v2 =	vld [tilespmem:s18+$0x0];
	_ =	sdelay $0x7  }
0x26: {  	[tilespmem:v2+s3+$0x0] =	vst.idx.add.f32.msk $0xffff, v1  }
0x27: {  	v2 =	vld [tilespmem:s18+$0x10];
	_ =	sdelay $0x7  }
0x28: {  	[tilespmem:v2+s3+$0x0] =	vst.idx.add.f32.msk $0xffff, v1  }
0x29: {  	v2 =	vld [tilespmem:s18+$0x20];
	_ =	sdelay $0x7  }
0x2a: {  	[tilespmem:v2+s3+$0x0] =	vst.idx.add.f32.msk $0xffff, v1  }
0x2b: {  	v2 =	vld [tilespmem:s18+$0x30];
	_ =	sdelay $0x7  }
0x2c: {  	[tilespmem:v2+s3+$0x0] =	vst.idx.add.f32.msk $0xffff, v1  }
0x2d: {  	v2 =	vld [tilespmem:s18+$0x40];
	_ =	sdelay $0x7  }
0x2e: {  	[tilespmem:v2+s3+$0x0] =	vst.idx.add.f32.msk $0xffff, v1  }
0x2f: {  	v2 =	vld [tilespmem:s18+$0x50];
	_ =	sdelay $0x7  }
0x30: {  	[tilespmem:v2+s3+$0x0] =	vst.idx.add.f32.msk $0xffff, v1  }
0x31: {  	v2 =	vld [tilespmem:s18+$0x60];
	_ =	sdelay $0x7  }
0x32: {  	[tilespmem:v2+s3+$0x0] =	vst.idx.add.f32.msk $0xffff, v1  }
0x33: {  	v2 =	vld [tilespmem:s18+$0x70];
	_ =	sdelay $0x7  }
0x34: {  	[tilespmem:v2+s3+$0x0] =	vst.idx.add.f32.msk $0xffff, v1  }
0x35: {  	v2 =	vld [tilespmem:s18+$0x400];
	_ =	sdelay $0x7  }
0x36: {  	[tilespmem:v2+s3+$0x0] =	vst.idx.add.f32.msk $0xffff, v1  }
0x37: {  	v2 =	vld [tilespmem:s18+$0x410];
	_ =	sdelay $0x7  }
0x38: {  	[tilespmem:v2+s3+$0x0] =	vst.idx.add.f32.msk $0xffff, v1  }
0x39: {  	v2 =	vld [tilespmem:s18+$0x420];
	_ =	sdelay $0x7  }
0x3a: {  	[tilespmem:v2+s3+$0x0] =	vst.idx.add.f32.msk $0xffff, v1  }
0x3b: {  	v2 =	vld [tilespmem:s18+$0x430];
	_ =	sdelay $0x7  }
0x3c: {  	[tilespmem:v2+s3+$0x0] =	vst.idx.add.f32.msk $0xffff, v1  }
0x3d: {  	v2 =	vld [tilespmem:s18+$0x440];
	_ =	sdelay $0x7  }
0x3e: {  	[tilespmem:v2+s3+$0x0] =	vst.idx.add.f32.msk $0xffff, v1  }
0x3f: {  	v2 =	vld [tilespmem:s18+$0x450];
	_ =	sdelay $0x7  }
0x40: {  	[tilespmem:v2+s3+$0x0] =	vst.idx.add.f32.msk $0xffff, v1  }
0x41: {  	v2 =	vld [tilespmem:s18+$0x460];
	_ =	sdelay $0x7  }
0x42: {  	[tilespmem:v2+s3+$0x0] =	vst.idx.add.f32.msk $0xffff, v1  }
0x43: {  	v2 =	vld [tilespmem:s18+$0x470];
	_ =	sdelay $0x7  }
0x44: {  	[tilespmem:v2+s3+$0x0] =	vst.idx.add.f32.msk $0xffff, v1  }
0x45: {  	v2 =	vld [tilespmem:s18+$0x800];
	_ =	sdelay $0x7  }
0x46: {  	[tilespmem:v2+s3+$0x0] =	vst.idx.add.f32.msk $0xffff, v1  }
0x47: {  	v2 =	vld [tilespmem:s18+$0x810];
	_ =	sdelay $0x7  }
0x48: {  	[tilespmem:v2+s3+$0x0] =	vst.idx.add.f32.msk $0xffff, v1  }
0x49: {  	v2 =	vld [tilespmem:s18+$0x820];
	_ =	sdelay $0x7  }
0x4a: {  	[tilespmem:v2+s3+$0x0] =	vst.idx.add.f32.msk $0xffff, v1  }
0x4b: {  	v2 =	vld [tilespmem:s18+$0x830];
	_ =	sdelay $0x7  }
0x4c: {  	[tilespmem:v2+s3+$0x0] =	vst.idx.add.f32.msk $0xffff, v1  }
0x4d: {  	v2 =	vld [tilespmem:s18+$0x840];
	_ =	sdelay $0x7  }
0x4e: {  	[tilespmem:v2+s3+$0x0] =	vst.idx.add.f32.msk $0xffff, v1  }
0x4f: {  	v2 =	vld [tilespmem:s18+$0x850];
	_ =	sdelay $0x7  }
0x50: {  	[tilespmem:v2+s3+$0x0] =	vst.idx.add.f32.msk $0xffff, v1  }
0x51: {  	v2 =	vld [tilespmem:s18+$0x860];
	_ =	sdelay $0x7  }
0x52: {  	[tilespmem:v2+s3+$0x0] =	vst.idx.add.f32.msk $0xffff, v1  }
0x53: {  	v2 =	vld [tilespmem:s18+$0x870];
	_ =	sdelay $0x7  }
0x54: {  	[tilespmem:v2+s3+$0x0] =	vst.idx.add.f32.msk $0xffff, v1  }
0x55: {  	v2 =	vld [tilespmem:s18+$0xC00];
	_ =	sdelay $0x7  }
0x56: {  	[tilespmem:v2+s3+$0x0] =	vst.idx.add.f32.msk $0xffff, v1  }
0x57: {  	v2 =	vld [tilespmem:s18+$0xC10];
	_ =	sdelay $0x7  }
0x58: {  	[tilespmem:v2+s3+$0x0] =	vst.idx.add.f32.msk $0xffff, v1  }
0x59: {  	v2 =	vld [tilespmem:s18+$0xC20];
	_ =	sdelay $0x7  }
0x5a: {  	[tilespmem:v2+s3+$0x0] =	vst.idx.add.f32.msk $0xffff, v1  }
0x5b: {  	v2 =	vld [tilespmem:s18+$0xC30];
	_ =	sdelay $0x7  }
0x5c: {  	[tilespmem:v2+s3+$0x0] =	vst.idx.add.f32.msk $0xffff, v1  }
0x5d: {  	v2 =	vld [tilespmem:s18+$0xC40];
	_ =	sdelay $0x7  }
0x5e: {  	[tilespmem:v2+s3+$0x0] =	vst.idx.add.f32.msk $0xffff, v1  }
0x5f: {  	v2 =	vld [tilespmem:s18+$0xC50];
	_ =	sdelay $0x7  }
0x60: {  	[tilespmem:v2+s3+$0x0] =	vst.idx.add.f32.msk $0xffff, v1  }
0x61: {  	v2 =	vld [tilespmem:s18+$0xC60];
	_ =	sdelay $0x7  }
0x62: {  	[tilespmem:v2+s3+$0x0] =	vst.idx.add.f32.msk $0xffff, v1  }
0x63: {  	v2 =	vld [tilespmem:s18+$0xC70];
	_ =	sdelay $0x2  }
0x64: {  	p2 =	sne.s32 s17, $0x1E00  }
.Ltmp0:
0x65: {  	_ = 	snop;
	(pc) =	sbr.rel @p2 .LBB2_3-.Ltmp0, $2  }
0x66: {  	_ =	sdelay $0x2  }
0x67: {  	s16 =	sadd.s32 $0x80, s16;
	s17 =	sadd.s32 $0x200, s17;
	[tilespmem:v2+s3+$0x0] =	vst.idx.add.f32.msk $0xffff, v1  }
0x68: {  	p2 =	seq.s32 s14, $0x7;
	s15 =	simm.s32 $0x1;
	s14 =	sadd.s32 $0x1, s14  }
0x69: {  	s15 =	simm.s32 @!p0 $0x0;
	p0 =	sne.s32 s14, $0x8  }
.Ltmp1:
0x6a: {  	_ = 	snop;
	(pc) =	sbr.rel @p0 .LBB2_2-.Ltmp1, $4  }
0x6b: {  	_ = 	snop  }
0x6c: {  	s16 =	simm.s32 $0x1;
	p1 =	por p2, p1  }
0x6d: {  	s16 =	simm.s32 @!p1 $0x0  }
0x6e: {  	_ =	strace $0x9000004B;
	s13 =	sadd.s32 s15, s13;
	s12 =	sadd.s32 s16, s12  }
0x6f: {  	s10 =	sadd.s32 $0x1, s10  }
0x70: {  	p0 =	sne.s32 s10, s7  }
.Ltmp2:
0x71: {  	_ = 	snop;
	(pc) =	sbr.rel @p0 .LBB2_1-.Ltmp2, $4  }
0x72: {  	[hbm4b:s6+s3] =	stream.linear.scatter [tilespmem:s3], [sflag:$0x1], $0x80, $0x38;
	[tilespmem:$0x4080] =	vst v63  }
0x73: {  	_ =	swait.ge [sflag:s9], $0x80  }
0x74: {  	[sflag:s9] =	ssyncset.done $0x0  }
0x75: {  	[sflag:s9] =	ssyncadd.s32 $0xFFFFFF80  }
0x76: {  	_ =	sfence.sel $0x180000  }
0x77: {  	[bflag:$0x0] =	sbarrier.arrive $0xFFFF  }
0x78: {  	p0 =	sne.s32 s2, $0x0;
	_ =	strace $0x90000047  }
0x79: {  	s0 =	sadd.s32 @!p0 $0x100000, s0;
	[bflag:$0x2] =	sbarrier.arrive $0xFFFF  }
0x7a: {  	[sflag:s0] =	ssyncadd.tile.s32 @!p0 $0x1;
	_ =	shalt  }
.Lfunc_end2:
_tile_overlayer_lowered:
.L_overlay_start_2:
0x7b: {  	(tag) =	ssettag $0x2  }
0x7c: {  	s0 =	rddreg [dreg:$0x0];
	s2 =	stileid.u32  }
0x7d: {  	s1 =	rddreg [dreg:$0x1];
	p0 =	sne.s32 s2, $0x0  }
0x7e: {  	s3 =	rddreg [dreg:$0x2];
	[bflag:$0x3] =	sbarrier.arrive $0xFFFF;
	s2 =	simm.s32 @!p0 $0x1C02  }
0x7f: {  	[timem:s3], [sflag:s2] =	dma.local @!p0 [hbm:s0], s1  }
0x80: {  	s0 =	simm.s32 @!p0 $0x2  }
0x81: {  	_ =	swait.ge @!p0 [sflag:s0], s1  }
0x82: {  	s1 =	ssub.s32 @!p0 $0x0, s1;
	[sflag:s0] =	ssyncset.done @!p0 $0x0  }
0x83: {  	[sflag:s0] =	ssyncadd.s32 @!p0 s1  }
0x84: {  	[bflag:$0x3] =	sbarrier.arrive $0xFFFF  }
0x85: {  	_ =	shalt  }

</sc_bundles>
